<compile_context>
chip_gen: v7x
topology: tpu7x:2x2x1
jax: 0.10.2.dev20260603
libtpu: 0.0.44.dev20260713+nightly
codegen_flags: <defaults>
</compile_context>

<pallas_src>
import functools

import jax
import jax.numpy as jnp
from jax import lax
from jax.experimental import pallas as pl
from jax.experimental.pallas import tpu as pltpu
from jax.experimental.pallas import tpu_sc as plsc

NC = 2
NS = 16
NW = NC * NS
C = 128
D = 100
DP = 128
NBUF = 5
LOOK = 3

PAD_BR = 1024


@functools.lru_cache(maxsize=None)
def _build_gather(n_rows, n_chunks):
    mesh = plsc.VectorSubcoreMesh(core_axis_name="c", subcore_axis_name="s")
    per_w = n_chunks * C

    @functools.partial(
        pl.kernel,
        mesh=mesh,
        out_type=jax.ShapeDtypeStruct((n_rows, DP), jnp.float32),
        compiler_params=pltpu.CompilerParams(use_tc_tiling_on_sc=False),
        scratch_types=(
            [pltpu.VMEM((n_chunks, C), jnp.int32)]
            + [pltpu.VMEM((C, DP), jnp.float32) for _ in range(NBUF)]
            + [pltpu.SemaphoreType.DMA for _ in range(2 * NBUF)]
        ),
    )
    def k(table_hbm, idx_hbm, out_hbm, idx_v, *rest):
        rows = list(rest[:NBUF])
        gsem = list(rest[NBUF:2 * NBUF])
        osem = list(rest[2 * NBUF:])
        wid = lax.axis_index("s") * NC + lax.axis_index("c")
        base = wid * per_w

        pltpu.sync_copy(idx_hbm.at[wid], idx_v)

        def g_copy(j, b):
            return pltpu.make_async_copy(
                table_hbm.at[idx_v.at[j]], rows[b], gsem[b])

        def s_copy(j, b):
            return pltpu.make_async_copy(
                rows[b], out_hbm.at[pl.ds(base + j * C, C)], osem[b])

        lag = NBUF - LOOK

        for j in range(LOOK):
            g_copy(j, j).start()

        for j in range(NBUF):
            if j >= lag:
                s_copy(j - lag, (j - lag) % NBUF).wait()
            g_copy(j + LOOK, (j + LOOK) % NBUF).start()
            g_copy(j, j).wait()
            s_copy(j, j).start()

        def group(g, carry):
            for b in range(NBUF):
                j = g * NBUF + b
                s_copy(j - lag, (b - lag) % NBUF).wait()
                g_copy(j + LOOK, (b + LOOK) % NBUF).start()
                g_copy(j, b).wait()
                s_copy(j, b).start()
            return carry

        lax.fori_loop(1, n_chunks // NBUF - 1, group, None)

        for b in range(NBUF):
            j = n_chunks - NBUF + b
            s_copy(j - lag, (j - lag) % NBUF).wait()
            if j + LOOK < n_chunks:
                g_copy(j + LOOK, (j + LOOK) % NBUF).start()
            g_copy(j, b).wait()
            s_copy(j, b).start()

        for j in range(n_chunks - lag, n_chunks):
            s_copy(j, j % NBUF).wait()

    return k


def _pad_body(x_ref, o_ref):
    o_ref[...] = jnp.concatenate(
        [x_ref[...], jnp.zeros((x_ref.shape[0], DP - D), jnp.float32)], axis=1)


@functools.lru_cache(maxsize=None)
def _build_pad(n_rows):
    grid = (pl.cdiv(n_rows, PAD_BR),)
    return pl.pallas_call(
        _pad_body,
        grid=grid,
        in_specs=[pl.BlockSpec((PAD_BR, D), lambda i: (i, 0))],
        out_specs=pl.BlockSpec((PAD_BR, DP), lambda i: (i, 0)),
        out_shape=jax.ShapeDtypeStruct((n_rows, DP), jnp.float32),
    )


def kernel(inputs, embeddings):
    n_rows = inputs.size
    table = _build_pad(embeddings.shape[0])(embeddings)
    idx = inputs.reshape(NW, -1, C).astype(jnp.int32)
    out = _build_gather(n_rows, idx.shape[1])(table, idx)
    return out[:, :D].reshape(*inputs.shape, D)

# --- scband reference (transcript-rebuilt; emitter-appended) ---
"""Pipeline reference for scband-embedding-86328842649862 (READ-ONLY COPY).

The authoritative reference and input builder live on the scoring server;
editing this copy changes nothing except your own understanding.
"""

import jax, jax.numpy as jnp
import numpy as np

VOCAB = 100002  # 2 special (pad) rows + 100000 pretrained word vectors
EMBED_DIM = 100
BATCH = 4096
SEQ_LEN = 200


def setup_inputs(seed: int = 0) -> dict:
    key = jax.random.key(seed)
    k_table, k_idx = jax.random.split(key)
    # Learned/pretrained embedding table: concat of 2 special rows + word vectors,
    # materialized here as a single [VOCAB, 100] float32 table.
    embeddings = jax.random.normal(k_table, (VOCAB, EMBED_DIM), dtype=jnp.float32) * 0.02
    inputs = jax.random.randint(k_idx, (BATCH, SEQ_LEN), 0, VOCAB, dtype=jnp.int64 if jax.config.jax_enable_x64 else jnp.int32)
    return {"inputs": inputs, "embeddings": embeddings}


def reference(inputs, embeddings):
    # tf.gather(self.embeddings, inputs) -> gather rows along axis 0
    return jnp.take(embeddings, inputs, axis=0)

if __name__ == "__main__":
    import jax
    _d = setup_inputs()
    print(jax.jit(kernel)(*tuple(_d.values())))

</pallas_src>

<mosaic_0001>
#map = affine_map<(d0, d1) -> (0, 0)>
#map1 = affine_map<(d0, d1) -> (0, 0, 0)>
module attributes {stable_mosaic.version = 14 : i64} {
  func.func @k(%arg0: i32, %arg1: i32, %arg2: memref<100002x128xf32, #tpu.memory_space<hbm>>, %arg3: memref<32x200x128xi32, #tpu.memory_space<hbm>>, %arg4: memref<819200x128xf32, #tpu.memory_space<hbm>>, %arg5: memref<200x128xi32, #tpu.memory_space<vmem>>, %arg6: memref<128x128xf32, #tpu.memory_space<vmem>>, %arg7: memref<128x128xf32, #tpu.memory_space<vmem>>, %arg8: memref<128x128xf32, #tpu.memory_space<vmem>>, %arg9: memref<128x128xf32, #tpu.memory_space<vmem>>, %arg10: memref<128x128xf32, #tpu.memory_space<vmem>>, %arg11: memref<!tpu.dma_semaphore, #tpu.memory_space<semaphore_mem>>, %arg12: memref<!tpu.dma_semaphore, #tpu.memory_space<semaphore_mem>>, %arg13: memref<!tpu.dma_semaphore, #tpu.memory_space<semaphore_mem>>, %arg14: memref<!tpu.dma_semaphore, #tpu.memory_space<semaphore_mem>>, %arg15: memref<!tpu.dma_semaphore, #tpu.memory_space<semaphore_mem>>, %arg16: memref<!tpu.dma_semaphore, #tpu.memory_space<semaphore_mem>>, %arg17: memref<!tpu.dma_semaphore, #tpu.memory_space<semaphore_mem>>, %arg18: memref<!tpu.dma_semaphore, #tpu.memory_space<semaphore_mem>>, %arg19: memref<!tpu.dma_semaphore, #tpu.memory_space<semaphore_mem>>, %arg20: memref<!tpu.dma_semaphore, #tpu.memory_space<semaphore_mem>>) attributes {dimension_semantics = [#tpu.dimension_semantics<core_parallel>, #tpu.dimension_semantics<subcore_parallel>], iteration_bounds = array<i64: 2, 16>, scalar_prefetch = 0 : i64, scratch_operands = 16 : i64, tpu.core_type = #tpu.core_type<sc_vector_subcore>, window_params = [{transform_indices = #map}, {transform_indices = #map1}, {transform_indices = #map}]} {
    %mul3A = arith.constant 2 : i32
    %mul3A_0 = arith.muli %arg1, %mul3A : i32
    %add3A = arith.addi %mul3A_0, %arg0 : i32
    %mul3A_1 = arith.constant 25600 : i32
    %mul3A_2 = arith.muli %add3A, %mul3A_1 : i32
    "tpu.region"() ({
      %run_scoped3A = tpu.sem_alloc : memref<!tpu.dma_semaphore, #tpu.memory_space<semaphore_mem>>
      %dma_start3A_265 = arith.constant 0 : i32
      %dma_start3A_266 = arith.constant 0 : i32
      %dma_start3A_267 = tpu.memref_slice %arg3[%add3A, %dma_start3A_265, %dma_start3A_266] : memref<32x200x128xi32, #tpu.memory_space<hbm>> -> memref<1x200x128xi32, #tpu.memory_space<hbm>>
      %dma_start3A_268 = tpu.memref_squeeze %dma_start3A_267 : memref<1x200x128xi32, #tpu.memory_space<hbm>> -> memref<200x128xi32, #tpu.memory_space<hbm>>
      %dma_start3A_269 = arith.constant 0 : i32
      %dma_start3A_270 = arith.constant 0 : i32
      %dma_start3A_271 = tpu.memref_slice %arg3[%add3A, %dma_start3A_269, %dma_start3A_270] : memref<32x200x128xi32, #tpu.memory_space<hbm>> -> memref<1x200x128xi32, #tpu.memory_space<hbm>>
      %dma_start3A_272 = tpu.memref_squeeze %dma_start3A_271 : memref<1x200x128xi32, #tpu.memory_space<hbm>> -> memref<200x128xi32, #tpu.memory_space<hbm>>
      tpu.enqueue_dma source(%dma_start3A_272 : memref<200x128xi32, #tpu.memory_space<hbm>>) target(%arg5 : memref<200x128xi32, #tpu.memory_space<vmem>>) target_semaphore(%run_scoped3A : memref<!tpu.dma_semaphore, #tpu.memory_space<semaphore_mem>>)
      %dma_wait3A_273 = arith.constant 0 : i32
      %dma_wait3A_274 = arith.constant 0 : i32
      %dma_wait3A_275 = tpu.memref_slice %arg3[%add3A, %dma_wait3A_273, %dma_wait3A_274] : memref<32x200x128xi32, #tpu.memory_space<hbm>> -> memref<1x200x128xi32, #tpu.memory_space<hbm>>
      %dma_wait3A_276 = tpu.memref_squeeze %dma_wait3A_275 : memref<1x200x128xi32, #tpu.memory_space<hbm>> -> memref<200x128xi32, #tpu.memory_space<hbm>>
      %dma_wait3A_277 = arith.constant 0 : i32
      %dma_wait3A_278 = arith.constant 0 : i32
      %dma_wait3A_279 = tpu.memref_slice %arg3[%add3A, %dma_wait3A_277, %dma_wait3A_278] : memref<32x200x128xi32, #tpu.memory_space<hbm>> -> memref<1x200x128xi32, #tpu.memory_space<hbm>>
      %dma_wait3A_280 = tpu.memref_squeeze %dma_wait3A_279 : memref<1x200x128xi32, #tpu.memory_space<hbm>> -> memref<200x128xi32, #tpu.memory_space<hbm>>
      tpu.wait_dma2 semaphore(%run_scoped3A : memref<!tpu.dma_semaphore, #tpu.memory_space<semaphore_mem>>) src(%dma_wait3A_280 : memref<200x128xi32, #tpu.memory_space<hbm>>) dst(%arg5 : memref<200x128xi32, #tpu.memory_space<vmem>>)
      tpu.yield
    }) : () -> ()
    %dma_start3A = arith.constant 0 : i32
    %dma_start3A_3 = arith.constant 0 : i32
    %dma_start3A_4 = tpu.memref_slice %arg5[%dma_start3A, %dma_start3A_3] : memref<200x128xi32, #tpu.memory_space<vmem>> -> memref<1x128xi32, #tpu.memory_space<vmem>>
    %dma_start3A_5 = tpu.memref_squeeze %dma_start3A_4 : memref<1x128xi32, #tpu.memory_space<vmem>> -> memref<128xi32, #tpu.memory_space<vmem>>
    %dma_start3A_6 = arith.constant 0 : i32
    %dma_start3A_7 = arith.constant 0 : i32
    %dma_start3A_8 = tpu.memref_slice %arg2[%dma_start3A_6, %dma_start3A_7] : memref<100002x128xf32, #tpu.memory_space<hbm>> -> memref<100002x128xf32, #tpu.memory_space<hbm>>
    tpu.enqueue_indirect_dma source(%dma_start3A_8 : memref<100002x128xf32, #tpu.memory_space<hbm>>) target(%arg6 : memref<128x128xf32, #tpu.memory_space<vmem>>) offsets(%dma_start3A_5 : memref<128xi32, #tpu.memory_space<vmem>>) semaphore(%arg11 : memref<!tpu.dma_semaphore, #tpu.memory_space<semaphore_mem>>)
    %dma_start3A_9 = arith.constant 1 : i32
    %dma_start3A_10 = arith.constant 0 : i32
    %dma_start3A_11 = tpu.memref_slice %arg5[%dma_start3A_9, %dma_start3A_10] : memref<200x128xi32, #tpu.memory_space<vmem>> -> memref<1x128xi32, #tpu.memory_space<vmem>>
    %dma_start3A_12 = tpu.memref_squeeze %dma_start3A_11 : memref<1x128xi32, #tpu.memory_space<vmem>> -> memref<128xi32, #tpu.memory_space<vmem>>
    %dma_start3A_13 = arith.constant 0 : i32
    %dma_start3A_14 = arith.constant 0 : i32
    %dma_start3A_15 = tpu.memref_slice %arg2[%dma_start3A_13, %dma_start3A_14] : memref<100002x128xf32, #tpu.memory_space<hbm>> -> memref<100002x128xf32, #tpu.memory_space<hbm>>
    tpu.enqueue_indirect_dma source(%dma_start3A_15 : memref<100002x128xf32, #tpu.memory_space<hbm>>) target(%arg7 : memref<128x128xf32, #tpu.memory_space<vmem>>) offsets(%dma_start3A_12 : memref<128xi32, #tpu.memory_space<vmem>>) semaphore(%arg12 : memref<!tpu.dma_semaphore, #tpu.memory_space<semaphore_mem>>)
    %dma_start3A_16 = arith.constant 2 : i32
    %dma_start3A_17 = arith.constant 0 : i32
    %dma_start3A_18 = tpu.memref_slice %arg5[%dma_start3A_16, %dma_start3A_17] : memref<200x128xi32, #tpu.memory_space<vmem>> -> memref<1x128xi32, #tpu.memory_space<vmem>>
    %dma_start3A_19 = tpu.memref_squeeze %dma_start3A_18 : memref<1x128xi32, #tpu.memory_space<vmem>> -> memref<128xi32, #tpu.memory_space<vmem>>
    %dma_start3A_20 = arith.constant 0 : i32
    %dma_start3A_21 = arith.constant 0 : i32
    %dma_start3A_22 = tpu.memref_slice %arg2[%dma_start3A_20, %dma_start3A_21] : memref<100002x128xf32, #tpu.memory_space<hbm>> -> memref<100002x128xf32, #tpu.memory_space<hbm>>
    tpu.enqueue_indirect_dma source(%dma_start3A_22 : memref<100002x128xf32, #tpu.memory_space<hbm>>) target(%arg8 : memref<128x128xf32, #tpu.memory_space<vmem>>) offsets(%dma_start3A_19 : memref<128xi32, #tpu.memory_space<vmem>>) semaphore(%arg13 : memref<!tpu.dma_semaphore, #tpu.memory_space<semaphore_mem>>)
    %dma_start3A_23 = arith.constant 3 : i32
    %dma_start3A_24 = arith.constant 0 : i32
    %dma_start3A_25 = tpu.memref_slice %arg5[%dma_start3A_23, %dma_start3A_24] : memref<200x128xi32, #tpu.memory_space<vmem>> -> memref<1x128xi32, #tpu.memory_space<vmem>>
    %dma_start3A_26 = tpu.memref_squeeze %dma_start3A_25 : memref<1x128xi32, #tpu.memory_space<vmem>> -> memref<128xi32, #tpu.memory_space<vmem>>
    %dma_start3A_27 = arith.constant 0 : i32
    %dma_start3A_28 = arith.constant 0 : i32
    %dma_start3A_29 = tpu.memref_slice %arg2[%dma_start3A_27, %dma_start3A_28] : memref<100002x128xf32, #tpu.memory_space<hbm>> -> memref<100002x128xf32, #tpu.memory_space<hbm>>
    tpu.enqueue_indirect_dma source(%dma_start3A_29 : memref<100002x128xf32, #tpu.memory_space<hbm>>) target(%arg9 : memref<128x128xf32, #tpu.memory_space<vmem>>) offsets(%dma_start3A_26 : memref<128xi32, #tpu.memory_space<vmem>>) semaphore(%arg14 : memref<!tpu.dma_semaphore, #tpu.memory_space<semaphore_mem>>)
    %dma_wait3A = arith.constant 0 : i32
    %dma_wait3A_30 = arith.constant 0 : i32
    %dma_wait3A_31 = tpu.memref_slice %arg5[%dma_wait3A, %dma_wait3A_30] : memref<200x128xi32, #tpu.memory_space<vmem>> -> memref<1x128xi32, #tpu.memory_space<vmem>>
    %dma_wait3A_32 = tpu.memref_squeeze %dma_wait3A_31 : memref<1x128xi32, #tpu.memory_space<vmem>> -> memref<128xi32, #tpu.memory_space<vmem>>
    %dma_wait3A_33 = arith.constant 0 : i32
    %dma_wait3A_34 = arith.constant 0 : i32
    %dma_wait3A_35 = tpu.memref_slice %arg2[%dma_wait3A_33, %dma_wait3A_34] : memref<100002x128xf32, #tpu.memory_space<hbm>> -> memref<100002x128xf32, #tpu.memory_space<hbm>>
    tpu.wait_indirect_dma semaphore(%arg11 : memref<!tpu.dma_semaphore, #tpu.memory_space<semaphore_mem>>) src(%dma_wait3A_35 : memref<100002x128xf32, #tpu.memory_space<hbm>>) dst(%arg6 : memref<128x128xf32, #tpu.memory_space<vmem>>)
    %add3A_36 = arith.constant 0 : i32
    %add3A_37 = arith.addi %mul3A_2, %add3A_36 : i32
    %dma_start3A_38 = arith.constant 0 : i32
    %dma_start3A_39 = tpu.memref_slice %arg4[%add3A_37, %dma_start3A_38] : memref<819200x128xf32, #tpu.memory_space<hbm>> -> memref<128x128xf32, #tpu.memory_space<hbm>>
    %dma_start3A_40 = arith.constant 0 : i32
    %dma_start3A_41 = tpu.memref_slice %arg4[%add3A_37, %dma_start3A_40] : memref<819200x128xf32, #tpu.memory_space<hbm>> -> memref<128x128xf32, #tpu.memory_space<hbm>>
    tpu.enqueue_dma source(%arg6 : memref<128x128xf32, #tpu.memory_space<vmem>>) target(%dma_start3A_41 : memref<128x128xf32, #tpu.memory_space<hbm>>) target_semaphore(%arg16 : memref<!tpu.dma_semaphore, #tpu.memory_space<semaphore_mem>>)
    %dma_start3A_42 = arith.constant 4 : i32
    %dma_start3A_43 = arith.constant 0 : i32
    %dma_start3A_44 = tpu.memref_slice %arg5[%dma_start3A_42, %dma_start3A_43] : memref<200x128xi32, #tpu.memory_space<vmem>> -> memref<1x128xi32, #tpu.memory_space<vmem>>
    %dma_start3A_45 = tpu.memref_squeeze %dma_start3A_44 : memref<1x128xi32, #tpu.memory_space<vmem>> -> memref<128xi32, #tpu.memory_space<vmem>>
    %dma_start3A_46 = arith.constant 0 : i32
    %dma_start3A_47 = arith.constant 0 : i32
    %dma_start3A_48 = tpu.memref_slice %arg2[%dma_start3A_46, %dma_start3A_47] : memref<100002x128xf32, #tpu.memory_space<hbm>> -> memref<100002x128xf32, #tpu.memory_space<hbm>>
    tpu.enqueue_indirect_dma source(%dma_start3A_48 : memref<100002x128xf32, #tpu.memory_space<hbm>>) target(%arg10 : memref<128x128xf32, #tpu.memory_space<vmem>>) offsets(%dma_start3A_45 : memref<128xi32, #tpu.memory_space<vmem>>) semaphore(%arg15 : memref<!tpu.dma_semaphore, #tpu.memory_space<semaphore_mem>>)
    %dma_wait3A_49 = arith.constant 1 : i32
    %dma_wait3A_50 = arith.constant 0 : i32
    %dma_wait3A_51 = tpu.memref_slice %arg5[%dma_wait3A_49, %dma_wait3A_50] : memref<200x128xi32, #tpu.memory_space<vmem>> -> memref<1x128xi32, #tpu.memory_space<vmem>>
    %dma_wait3A_52 = tpu.memref_squeeze %dma_wait3A_51 : memref<1x128xi32, #tpu.memory_space<vmem>> -> memref<128xi32, #tpu.memory_space<vmem>>
    %dma_wait3A_53 = arith.constant 0 : i32
    %dma_wait3A_54 = arith.constant 0 : i32
    %dma_wait3A_55 = tpu.memref_slice %arg2[%dma_wait3A_53, %dma_wait3A_54] : memref<100002x128xf32, #tpu.memory_space<hbm>> -> memref<100002x128xf32, #tpu.memory_space<hbm>>
    tpu.wait_indirect_dma semaphore(%arg12 : memref<!tpu.dma_semaphore, #tpu.memory_space<semaphore_mem>>) src(%dma_wait3A_55 : memref<100002x128xf32, #tpu.memory_space<hbm>>) dst(%arg7 : memref<128x128xf32, #tpu.memory_space<vmem>>)
    %add3A_56 = arith.constant 128 : i32
    %add3A_57 = arith.addi %mul3A_2, %add3A_56 : i32
    %dma_start3A_58 = arith.constant 0 : i32
    %dma_start3A_59 = tpu.memref_slice %arg4[%add3A_57, %dma_start3A_58] : memref<819200x128xf32, #tpu.memory_space<hbm>> -> memref<128x128xf32, #tpu.memory_space<hbm>>
    %dma_start3A_60 = arith.constant 0 : i32
    %dma_start3A_61 = tpu.memref_slice %arg4[%add3A_57, %dma_start3A_60] : memref<819200x128xf32, #tpu.memory_space<hbm>> -> memref<128x128xf32, #tpu.memory_space<hbm>>
    tpu.enqueue_dma source(%arg7 : memref<128x128xf32, #tpu.memory_space<vmem>>) target(%dma_start3A_61 : memref<128x128xf32, #tpu.memory_space<hbm>>) target_semaphore(%arg17 : memref<!tpu.dma_semaphore, #tpu.memory_space<semaphore_mem>>)
    %add3A_62 = arith.constant 0 : i32
    %add3A_63 = arith.addi %mul3A_2, %add3A_62 : i32
    %dma_wait3A_64 = arith.constant 0 : i32
    %dma_wait3A_65 = tpu.memref_slice %arg4[%add3A_63, %dma_wait3A_64] : memref<819200x128xf32, #tpu.memory_space<hbm>> -> memref<128x128xf32, #tpu.memory_space<hbm>>
    %dma_wait3A_66 = arith.constant 0 : i32
    %dma_wait3A_67 = tpu.memref_slice %arg4[%add3A_63, %dma_wait3A_66] : memref<819200x128xf32, #tpu.memory_space<hbm>> -> memref<128x128xf32, #tpu.memory_space<hbm>>
    tpu.wait_dma2 semaphore(%arg16 : memref<!tpu.dma_semaphore, #tpu.memory_space<semaphore_mem>>) src(%arg6 : memref<128x128xf32, #tpu.memory_space<vmem>>) dst(%dma_wait3A_67 : memref<128x128xf32, #tpu.memory_space<hbm>>)
    %dma_start3A_68 = arith.constant 5 : i32
    %dma_start3A_69 = arith.constant 0 : i32
    %dma_start3A_70 = tpu.memref_slice %arg5[%dma_start3A_68, %dma_start3A_69] : memref<200x128xi32, #tpu.memory_space<vmem>> -> memref<1x128xi32, #tpu.memory_space<vmem>>
    %dma_start3A_71 = tpu.memref_squeeze %dma_start3A_70 : memref<1x128xi32, #tpu.memory_space<vmem>> -> memref<128xi32, #tpu.memory_space<vmem>>
    %dma_start3A_72 = arith.constant 0 : i32
    %dma_start3A_73 = arith.constant 0 : i32
    %dma_start3A_74 = tpu.memref_slice %arg2[%dma_start3A_72, %dma_start3A_73] : memref<100002x128xf32, #tpu.memory_space<hbm>> -> memref<100002x128xf32, #tpu.memory_space<hbm>>
    tpu.enqueue_indirect_dma source(%dma_start3A_74 : memref<100002x128xf32, #tpu.memory_space<hbm>>) target(%arg6 : memref<128x128xf32, #tpu.memory_space<vmem>>) offsets(%dma_start3A_71 : memref<128xi32, #tpu.memory_space<vmem>>) semaphore(%arg11 : memref<!tpu.dma_semaphore, #tpu.memory_space<semaphore_mem>>)
    %dma_wait3A_75 = arith.constant 2 : i32
    %dma_wait3A_76 = arith.constant 0 : i32
    %dma_wait3A_77 = tpu.memref_slice %arg5[%dma_wait3A_75, %dma_wait3A_76] : memref<200x128xi32, #tpu.memory_space<vmem>> -> memref<1x128xi32, #tpu.memory_space<vmem>>
    %dma_wait3A_78 = tpu.memref_squeeze %dma_wait3A_77 : memref<1x128xi32, #tpu.memory_space<vmem>> -> memref<128xi32, #tpu.memory_space<vmem>>
    %dma_wait3A_79 = arith.constant 0 : i32
    %dma_wait3A_80 = arith.constant 0 : i32
    %dma_wait3A_81 = tpu.memref_slice %arg2[%dma_wait3A_79, %dma_wait3A_80] : memref<100002x128xf32, #tpu.memory_space<hbm>> -> memref<100002x128xf32, #tpu.memory_space<hbm>>
    tpu.wait_indirect_dma semaphore(%arg13 : memref<!tpu.dma_semaphore, #tpu.memory_space<semaphore_mem>>) src(%dma_wait3A_81 : memref<100002x128xf32, #tpu.memory_space<hbm>>) dst(%arg8 : memref<128x128xf32, #tpu.memory_space<vmem>>)
    %add3A_82 = arith.constant 256 : i32
    %add3A_83 = arith.addi %mul3A_2, %add3A_82 : i32
    %dma_start3A_84 = arith.constant 0 : i32
    %dma_start3A_85 = tpu.memref_slice %arg4[%add3A_83, %dma_start3A_84] : memref<819200x128xf32, #tpu.memory_space<hbm>> -> memref<128x128xf32, #tpu.memory_space<hbm>>
    %dma_start3A_86 = arith.constant 0 : i32
    %dma_start3A_87 = tpu.memref_slice %arg4[%add3A_83, %dma_start3A_86] : memref<819200x128xf32, #tpu.memory_space<hbm>> -> memref<128x128xf32, #tpu.memory_space<hbm>>
    tpu.enqueue_dma source(%arg8 : memref<128x128xf32, #tpu.memory_space<vmem>>) target(%dma_start3A_87 : memref<128x128xf32, #tpu.memory_space<hbm>>) target_semaphore(%arg18 : memref<!tpu.dma_semaphore, #tpu.memory_space<semaphore_mem>>)
    %add3A_88 = arith.constant 128 : i32
    %add3A_89 = arith.addi %mul3A_2, %add3A_88 : i32
    %dma_wait3A_90 = arith.constant 0 : i32
    %dma_wait3A_91 = tpu.memref_slice %arg4[%add3A_89, %dma_wait3A_90] : memref<819200x128xf32, #tpu.memory_space<hbm>> -> memref<128x128xf32, #tpu.memory_space<hbm>>
    %dma_wait3A_92 = arith.constant 0 : i32
    %dma_wait3A_93 = tpu.memref_slice %arg4[%add3A_89, %dma_wait3A_92] : memref<819200x128xf32, #tpu.memory_space<hbm>> -> memref<128x128xf32, #tpu.memory_space<hbm>>
    tpu.wait_dma2 semaphore(%arg17 : memref<!tpu.dma_semaphore, #tpu.memory_space<semaphore_mem>>) src(%arg7 : memref<128x128xf32, #tpu.memory_space<vmem>>) dst(%dma_wait3A_93 : memref<128x128xf32, #tpu.memory_space<hbm>>)
    %dma_start3A_94 = arith.constant 6 : i32
    %dma_start3A_95 = arith.constant 0 : i32
    %dma_start3A_96 = tpu.memref_slice %arg5[%dma_start3A_94, %dma_start3A_95] : memref<200x128xi32, #tpu.memory_space<vmem>> -> memref<1x128xi32, #tpu.memory_space<vmem>>
    %dma_start3A_97 = tpu.memref_squeeze %dma_start3A_96 : memref<1x128xi32, #tpu.memory_space<vmem>> -> memref<128xi32, #tpu.memory_space<vmem>>
    %dma_start3A_98 = arith.constant 0 : i32
    %dma_start3A_99 = arith.constant 0 : i32
    %dma_start3A_100 = tpu.memref_slice %arg2[%dma_start3A_98, %dma_start3A_99] : memref<100002x128xf32, #tpu.memory_space<hbm>> -> memref<100002x128xf32, #tpu.memory_space<hbm>>
    tpu.enqueue_indirect_dma source(%dma_start3A_100 : memref<100002x128xf32, #tpu.memory_space<hbm>>) target(%arg7 : memref<128x128xf32, #tpu.memory_space<vmem>>) offsets(%dma_start3A_97 : memref<128xi32, #tpu.memory_space<vmem>>) semaphore(%arg12 : memref<!tpu.dma_semaphore, #tpu.memory_space<semaphore_mem>>)
    %dma_wait3A_101 = arith.constant 3 : i32
    %dma_wait3A_102 = arith.constant 0 : i32
    %dma_wait3A_103 = tpu.memref_slice %arg5[%dma_wait3A_101, %dma_wait3A_102] : memref<200x128xi32, #tpu.memory_space<vmem>> -> memref<1x128xi32, #tpu.memory_space<vmem>>
    %dma_wait3A_104 = tpu.memref_squeeze %dma_wait3A_103 : memref<1x128xi32, #tpu.memory_space<vmem>> -> memref<128xi32, #tpu.memory_space<vmem>>
    %dma_wait3A_105 = arith.constant 0 : i32
    %dma_wait3A_106 = arith.constant 0 : i32
    %dma_wait3A_107 = tpu.memref_slice %arg2[%dma_wait3A_105, %dma_wait3A_106] : memref<100002x128xf32, #tpu.memory_space<hbm>> -> memref<100002x128xf32, #tpu.memory_space<hbm>>
    tpu.wait_indirect_dma semaphore(%arg14 : memref<!tpu.dma_semaphore, #tpu.memory_space<semaphore_mem>>) src(%dma_wait3A_107 : memref<100002x128xf32, #tpu.memory_space<hbm>>) dst(%arg9 : memref<128x128xf32, #tpu.memory_space<vmem>>)
    %add3A_108 = arith.constant 384 : i32
    %add3A_109 = arith.addi %mul3A_2, %add3A_108 : i32
    %dma_start3A_110 = arith.constant 0 : i32
    %dma_start3A_111 = tpu.memref_slice %arg4[%add3A_109, %dma_start3A_110] : memref<819200x128xf32, #tpu.memory_space<hbm>> -> memref<128x128xf32, #tpu.memory_space<hbm>>
    %dma_start3A_112 = arith.constant 0 : i32
    %dma_start3A_113 = tpu.memref_slice %arg4[%add3A_109, %dma_start3A_112] : memref<819200x128xf32, #tpu.memory_space<hbm>> -> memref<128x128xf32, #tpu.memory_space<hbm>>
    tpu.enqueue_dma source(%arg9 : memref<128x128xf32, #tpu.memory_space<vmem>>) target(%dma_start3A_113 : memref<128x128xf32, #tpu.memory_space<hbm>>) target_semaphore(%arg19 : memref<!tpu.dma_semaphore, #tpu.memory_space<semaphore_mem>>)
    %add3A_114 = arith.constant 256 : i32
    %add3A_115 = arith.addi %mul3A_2, %add3A_114 : i32
    %dma_wait3A_116 = arith.constant 0 : i32
    %dma_wait3A_117 = tpu.memref_slice %arg4[%add3A_115, %dma_wait3A_116] : memref<819200x128xf32, #tpu.memory_space<hbm>> -> memref<128x128xf32, #tpu.memory_space<hbm>>
    %dma_wait3A_118 = arith.constant 0 : i32
    %dma_wait3A_119 = tpu.memref_slice %arg4[%add3A_115, %dma_wait3A_118] : memref<819200x128xf32, #tpu.memory_space<hbm>> -> memref<128x128xf32, #tpu.memory_space<hbm>>
    tpu.wait_dma2 semaphore(%arg18 : memref<!tpu.dma_semaphore, #tpu.memory_space<semaphore_mem>>) src(%arg8 : memref<128x128xf32, #tpu.memory_space<vmem>>) dst(%dma_wait3A_119 : memref<128x128xf32, #tpu.memory_space<hbm>>)
    %dma_start3A_120 = arith.constant 7 : i32
    %dma_start3A_121 = arith.constant 0 : i32
    %dma_start3A_122 = tpu.memref_slice %arg5[%dma_start3A_120, %dma_start3A_121] : memref<200x128xi32, #tpu.memory_space<vmem>> -> memref<1x128xi32, #tpu.memory_space<vmem>>
    %dma_start3A_123 = tpu.memref_squeeze %dma_start3A_122 : memref<1x128xi32, #tpu.memory_space<vmem>> -> memref<128xi32, #tpu.memory_space<vmem>>
    %dma_start3A_124 = arith.constant 0 : i32
    %dma_start3A_125 = arith.constant 0 : i32
    %dma_start3A_126 = tpu.memref_slice %arg2[%dma_start3A_124, %dma_start3A_125] : memref<100002x128xf32, #tpu.memory_space<hbm>> -> memref<100002x128xf32, #tpu.memory_space<hbm>>
    tpu.enqueue_indirect_dma source(%dma_start3A_126 : memref<100002x128xf32, #tpu.memory_space<hbm>>) target(%arg8 : memref<128x128xf32, #tpu.memory_space<vmem>>) offsets(%dma_start3A_123 : memref<128xi32, #tpu.memory_space<vmem>>) semaphore(%arg13 : memref<!tpu.dma_semaphore, #tpu.memory_space<semaphore_mem>>)
    %dma_wait3A_127 = arith.constant 4 : i32
    %dma_wait3A_128 = arith.constant 0 : i32
    %dma_wait3A_129 = tpu.memref_slice %arg5[%dma_wait3A_127, %dma_wait3A_128] : memref<200x128xi32, #tpu.memory_space<vmem>> -> memref<1x128xi32, #tpu.memory_space<vmem>>
    %dma_wait3A_130 = tpu.memref_squeeze %dma_wait3A_129 : memref<1x128xi32, #tpu.memory_space<vmem>> -> memref<128xi32, #tpu.memory_space<vmem>>
    %dma_wait3A_131 = arith.constant 0 : i32
    %dma_wait3A_132 = arith.constant 0 : i32
    %dma_wait3A_133 = tpu.memref_slice %arg2[%dma_wait3A_131, %dma_wait3A_132] : memref<100002x128xf32, #tpu.memory_space<hbm>> -> memref<100002x128xf32, #tpu.memory_space<hbm>>
    tpu.wait_indirect_dma semaphore(%arg15 : memref<!tpu.dma_semaphore, #tpu.memory_space<semaphore_mem>>) src(%dma_wait3A_133 : memref<100002x128xf32, #tpu.memory_space<hbm>>) dst(%arg10 : memref<128x128xf32, #tpu.memory_space<vmem>>)
    %add3A_134 = arith.constant 512 : i32
    %add3A_135 = arith.addi %mul3A_2, %add3A_134 : i32
    %dma_start3A_136 = arith.constant 0 : i32
    %dma_start3A_137 = tpu.memref_slice %arg4[%add3A_135, %dma_start3A_136] : memref<819200x128xf32, #tpu.memory_space<hbm>> -> memref<128x128xf32, #tpu.memory_space<hbm>>
    %dma_start3A_138 = arith.constant 0 : i32
    %dma_start3A_139 = tpu.memref_slice %arg4[%add3A_135, %dma_start3A_138] : memref<819200x128xf32, #tpu.memory_space<hbm>> -> memref<128x128xf32, #tpu.memory_space<hbm>>
    tpu.enqueue_dma source(%arg10 : memref<128x128xf32, #tpu.memory_space<vmem>>) target(%dma_start3A_139 : memref<128x128xf32, #tpu.memory_space<hbm>>) target_semaphore(%arg20 : memref<!tpu.dma_semaphore, #tpu.memory_space<semaphore_mem>>)
    %scan3A = arith.constant 1 : i32
    %scan3A_140 = arith.constant 38 : i32
    %scan3A_141 = arith.addi %scan3A, %scan3A_140 : i32
    %scan3A_142 = arith.constant 1 : i32
    scf.for %scan3A_265 = %scan3A to %scan3A_141 step %scan3A_142  : i32 {
      %mul3A_266 = arith.constant 5 : i32
      %mul3A_267 = arith.muli %scan3A_265, %mul3A_266 : i32
      %add3A_268 = arith.constant 0 : i32
      %add3A_269 = arith.addi %mul3A_267, %add3A_268 : i32
      %sub3A = arith.constant 2 : i32
      %sub3A_270 = arith.subi %add3A_269, %sub3A : i32
      %mul3A_271 = arith.constant 128 : i32
      %mul3A_272 = arith.muli %sub3A_270, %mul3A_271 : i32
      %add3A_273 = arith.addi %mul3A_2, %mul3A_272 : i32
      %dma_wait3A_274 = arith.constant 0 : i32
      %dma_wait3A_275 = tpu.memref_slice %arg4[%add3A_273, %dma_wait3A_274] : memref<819200x128xf32, #tpu.memory_space<hbm>> -> memref<128x128xf32, #tpu.memory_space<hbm>>
      %dma_wait3A_276 = arith.constant 0 : i32
      %dma_wait3A_277 = tpu.memref_slice %arg4[%add3A_273, %dma_wait3A_276] : memref<819200x128xf32, #tpu.memory_space<hbm>> -> memref<128x128xf32, #tpu.memory_space<hbm>>
      tpu.wait_dma2 semaphore(%arg19 : memref<!tpu.dma_semaphore, #tpu.memory_space<semaphore_mem>>) src(%arg9 : memref<128x128xf32, #tpu.memory_space<vmem>>) dst(%dma_wait3A_277 : memref<128x128xf32, #tpu.memory_space<hbm>>)
      %add3A_278 = arith.constant 3 : i32
      %add3A_279 = arith.addi %add3A_269, %add3A_278 : i32
      %dma_start3A_280 = arith.constant 0 : i32
      %dma_start3A_281 = tpu.memref_slice %arg5[%add3A_279, %dma_start3A_280] : memref<200x128xi32, #tpu.memory_space<vmem>> -> memref<1x128xi32, #tpu.memory_space<vmem>>
      %dma_start3A_282 = tpu.memref_squeeze %dma_start3A_281 : memref<1x128xi32, #tpu.memory_space<vmem>> -> memref<128xi32, #tpu.memory_space<vmem>>
      %dma_start3A_283 = arith.constant 0 : i32
      %dma_start3A_284 = arith.constant 0 : i32
      %dma_start3A_285 = tpu.memref_slice %arg2[%dma_start3A_283, %dma_start3A_284] : memref<100002x128xf32, #tpu.memory_space<hbm>> -> memref<100002x128xf32, #tpu.memory_space<hbm>>
      tpu.enqueue_indirect_dma source(%dma_start3A_285 : memref<100002x128xf32, #tpu.memory_space<hbm>>) target(%arg9 : memref<128x128xf32, #tpu.memory_space<vmem>>) offsets(%dma_start3A_282 : memref<128xi32, #tpu.memory_space<vmem>>) semaphore(%arg14 : memref<!tpu.dma_semaphore, #tpu.memory_space<semaphore_mem>>)
      %dma_wait3A_286 = arith.constant 0 : i32
      %dma_wait3A_287 = tpu.memref_slice %arg5[%add3A_269, %dma_wait3A_286] : memref<200x128xi32, #tpu.memory_space<vmem>> -> memref<1x128xi32, #tpu.memory_space<vmem>>
      %dma_wait3A_288 = tpu.memref_squeeze %dma_wait3A_287 : memref<1x128xi32, #tpu.memory_space<vmem>> -> memref<128xi32, #tpu.memory_space<vmem>>
      %dma_wait3A_289 = arith.constant 0 : i32
      %dma_wait3A_290 = arith.constant 0 : i32
      %dma_wait3A_291 = tpu.memref_slice %arg2[%dma_wait3A_289, %dma_wait3A_290] : memref<100002x128xf32, #tpu.memory_space<hbm>> -> memref<100002x128xf32, #tpu.memory_space<hbm>>
      tpu.wait_indirect_dma semaphore(%arg11 : memref<!tpu.dma_semaphore, #tpu.memory_space<semaphore_mem>>) src(%dma_wait3A_291 : memref<100002x128xf32, #tpu.memory_space<hbm>>) dst(%arg6 : memref<128x128xf32, #tpu.memory_space<vmem>>)
      %mul3A_292 = arith.constant 128 : i32
      %mul3A_293 = arith.muli %add3A_269, %mul3A_292 : i32
      %add3A_294 = arith.addi %mul3A_2, %mul3A_293 : i32
      %dma_start3A_295 = arith.constant 0 : i32
      %dma_start3A_296 = tpu.memref_slice %arg4[%add3A_294, %dma_start3A_295] : memref<819200x128xf32, #tpu.memory_space<hbm>> -> memref<128x128xf32, #tpu.memory_space<hbm>>
      %dma_start3A_297 = arith.constant 0 : i32
      %dma_start3A_298 = tpu.memref_slice %arg4[%add3A_294, %dma_start3A_297] : memref<819200x128xf32, #tpu.memory_space<hbm>> -> memref<128x128xf32, #tpu.memory_space<hbm>>
      tpu.enqueue_dma source(%arg6 : memref<128x128xf32, #tpu.memory_space<vmem>>) target(%dma_start3A_298 : memref<128x128xf32, #tpu.memory_space<hbm>>) target_semaphore(%arg16 : memref<!tpu.dma_semaphore, #tpu.memory_space<semaphore_mem>>)
      %mul3A_299 = arith.constant 5 : i32
      %mul3A_300 = arith.muli %scan3A_265, %mul3A_299 : i32
      %add3A_301 = arith.constant 1 : i32
      %add3A_302 = arith.addi %mul3A_300, %add3A_301 : i32
      %sub3A_303 = arith.constant 2 : i32
      %sub3A_304 = arith.subi %add3A_302, %sub3A_303 : i32
      %mul3A_305 = arith.constant 128 : i32
      %mul3A_306 = arith.muli %sub3A_304, %mul3A_305 : i32
      %add3A_307 = arith.addi %mul3A_2, %mul3A_306 : i32
      %dma_wait3A_308 = arith.constant 0 : i32
      %dma_wait3A_309 = tpu.memref_slice %arg4[%add3A_307, %dma_wait3A_308] : memref<819200x128xf32, #tpu.memory_space<hbm>> -> memref<128x128xf32, #tpu.memory_space<hbm>>
      %dma_wait3A_310 = arith.constant 0 : i32
      %dma_wait3A_311 = tpu.memref_slice %arg4[%add3A_307, %dma_wait3A_310] : memref<819200x128xf32, #tpu.memory_space<hbm>> -> memref<128x128xf32, #tpu.memory_space<hbm>>
      tpu.wait_dma2 semaphore(%arg20 : memref<!tpu.dma_semaphore, #tpu.memory_space<semaphore_mem>>) src(%arg10 : memref<128x128xf32, #tpu.memory_space<vmem>>) dst(%dma_wait3A_311 : memref<128x128xf32, #tpu.memory_space<hbm>>)
      %add3A_312 = arith.constant 3 : i32
      %add3A_313 = arith.addi %add3A_302, %add3A_312 : i32
      %dma_start3A_314 = arith.constant 0 : i32
      %dma_start3A_315 = tpu.memref_slice %arg5[%add3A_313, %dma_start3A_314] : memref<200x128xi32, #tpu.memory_space<vmem>> -> memref<1x128xi32, #tpu.memory_space<vmem>>
      %dma_start3A_316 = tpu.memref_squeeze %dma_start3A_315 : memref<1x128xi32, #tpu.memory_space<vmem>> -> memref<128xi32, #tpu.memory_space<vmem>>
      %dma_start3A_317 = arith.constant 0 : i32
      %dma_start3A_318 = arith.constant 0 : i32
      %dma_start3A_319 = tpu.memref_slice %arg2[%dma_start3A_317, %dma_start3A_318] : memref<100002x128xf32, #tpu.memory_space<hbm>> -> memref<100002x128xf32, #tpu.memory_space<hbm>>
      tpu.enqueue_indirect_dma source(%dma_start3A_319 : memref<100002x128xf32, #tpu.memory_space<hbm>>) target(%arg10 : memref<128x128xf32, #tpu.memory_space<vmem>>) offsets(%dma_start3A_316 : memref<128xi32, #tpu.memory_space<vmem>>) semaphore(%arg15 : memref<!tpu.dma_semaphore, #tpu.memory_space<semaphore_mem>>)
      %dma_wait3A_320 = arith.constant 0 : i32
      %dma_wait3A_321 = tpu.memref_slice %arg5[%add3A_302, %dma_wait3A_320] : memref<200x128xi32, #tpu.memory_space<vmem>> -> memref<1x128xi32, #tpu.memory_space<vmem>>
      %dma_wait3A_322 = tpu.memref_squeeze %dma_wait3A_321 : memref<1x128xi32, #tpu.memory_space<vmem>> -> memref<128xi32, #tpu.memory_space<vmem>>
      %dma_wait3A_323 = arith.constant 0 : i32
      %dma_wait3A_324 = arith.constant 0 : i32
      %dma_wait3A_325 = tpu.memref_slice %arg2[%dma_wait3A_323, %dma_wait3A_324] : memref<100002x128xf32, #tpu.memory_space<hbm>> -> memref<100002x128xf32, #tpu.memory_space<hbm>>
      tpu.wait_indirect_dma semaphore(%arg12 : memref<!tpu.dma_semaphore, #tpu.memory_space<semaphore_mem>>) src(%dma_wait3A_325 : memref<100002x128xf32, #tpu.memory_space<hbm>>) dst(%arg7 : memref<128x128xf32, #tpu.memory_space<vmem>>)
      %mul3A_326 = arith.constant 128 : i32
      %mul3A_327 = arith.muli %add3A_302, %mul3A_326 : i32
      %add3A_328 = arith.addi %mul3A_2, %mul3A_327 : i32
      %dma_start3A_329 = arith.constant 0 : i32
      %dma_start3A_330 = tpu.memref_slice %arg4[%add3A_328, %dma_start3A_329] : memref<819200x128xf32, #tpu.memory_space<hbm>> -> memref<128x128xf32, #tpu.memory_space<hbm>>
      %dma_start3A_331 = arith.constant 0 : i32
      %dma_start3A_332 = tpu.memref_slice %arg4[%add3A_328, %dma_start3A_331] : memref<819200x128xf32, #tpu.memory_space<hbm>> -> memref<128x128xf32, #tpu.memory_space<hbm>>
      tpu.enqueue_dma source(%arg7 : memref<128x128xf32, #tpu.memory_space<vmem>>) target(%dma_start3A_332 : memref<128x128xf32, #tpu.memory_space<hbm>>) target_semaphore(%arg17 : memref<!tpu.dma_semaphore, #tpu.memory_space<semaphore_mem>>)
      %mul3A_333 = arith.constant 5 : i32
      %mul3A_334 = arith.muli %scan3A_265, %mul3A_333 : i32
      %add3A_335 = arith.constant 2 : i32
      %add3A_336 = arith.addi %mul3A_334, %add3A_335 : i32
      %sub3A_337 = arith.constant 2 : i32
      %sub3A_338 = arith.subi %add3A_336, %sub3A_337 : i32
      %mul3A_339 = arith.constant 128 : i32
      %mul3A_340 = arith.muli %sub3A_338, %mul3A_339 : i32
      %add3A_341 = arith.addi %mul3A_2, %mul3A_340 : i32
      %dma_wait3A_342 = arith.constant 0 : i32
      %dma_wait3A_343 = tpu.memref_slice %arg4[%add3A_341, %dma_wait3A_342] : memref<819200x128xf32, #tpu.memory_space<hbm>> -> memref<128x128xf32, #tpu.memory_space<hbm>>
      %dma_wait3A_344 = arith.constant 0 : i32
      %dma_wait3A_345 = tpu.memref_slice %arg4[%add3A_341, %dma_wait3A_344] : memref<819200x128xf32, #tpu.memory_space<hbm>> -> memref<128x128xf32, #tpu.memory_space<hbm>>
      tpu.wait_dma2 semaphore(%arg16 : memref<!tpu.dma_semaphore, #tpu.memory_space<semaphore_mem>>) src(%arg6 : memref<128x128xf32, #tpu.memory_space<vmem>>) dst(%dma_wait3A_345 : memref<128x128xf32, #tpu.memory_space<hbm>>)
      %add3A_346 = arith.constant 3 : i32
      %add3A_347 = arith.addi %add3A_336, %add3A_346 : i32
      %dma_start3A_348 = arith.constant 0 : i32
      %dma_start3A_349 = tpu.memref_slice %arg5[%add3A_347, %dma_start3A_348] : memref<200x128xi32, #tpu.memory_space<vmem>> -> memref<1x128xi32, #tpu.memory_space<vmem>>
      %dma_start3A_350 = tpu.memref_squeeze %dma_start3A_349 : memref<1x128xi32, #tpu.memory_space<vmem>> -> memref<128xi32, #tpu.memory_space<vmem>>
      %dma_start3A_351 = arith.constant 0 : i32
      %dma_start3A_352 = arith.constant 0 : i32
      %dma_start3A_353 = tpu.memref_slice %arg2[%dma_start3A_351, %dma_start3A_352] : memref<100002x128xf32, #tpu.memory_space<hbm>> -> memref<100002x128xf32, #tpu.memory_space<hbm>>
      tpu.enqueue_indirect_dma source(%dma_start3A_353 : memref<100002x128xf32, #tpu.memory_space<hbm>>) target(%arg6 : memref<128x128xf32, #tpu.memory_space<vmem>>) offsets(%dma_start3A_350 : memref<128xi32, #tpu.memory_space<vmem>>) semaphore(%arg11 : memref<!tpu.dma_semaphore, #tpu.memory_space<semaphore_mem>>)
      %dma_wait3A_354 = arith.constant 0 : i32
      %dma_wait3A_355 = tpu.memref_slice %arg5[%add3A_336, %dma_wait3A_354] : memref<200x128xi32, #tpu.memory_space<vmem>> -> memref<1x128xi32, #tpu.memory_space<vmem>>
      %dma_wait3A_356 = tpu.memref_squeeze %dma_wait3A_355 : memref<1x128xi32, #tpu.memory_space<vmem>> -> memref<128xi32, #tpu.memory_space<vmem>>
      %dma_wait3A_357 = arith.constant 0 : i32
      %dma_wait3A_358 = arith.constant 0 : i32
      %dma_wait3A_359 = tpu.memref_slice %arg2[%dma_wait3A_357, %dma_wait3A_358] : memref<100002x128xf32, #tpu.memory_space<hbm>> -> memref<100002x128xf32, #tpu.memory_space<hbm>>
      tpu.wait_indirect_dma semaphore(%arg13 : memref<!tpu.dma_semaphore, #tpu.memory_space<semaphore_mem>>) src(%dma_wait3A_359 : memref<100002x128xf32, #tpu.memory_space<hbm>>) dst(%arg8 : memref<128x128xf32, #tpu.memory_space<vmem>>)
      %mul3A_360 = arith.constant 128 : i32
      %mul3A_361 = arith.muli %add3A_336, %mul3A_360 : i32
      %add3A_362 = arith.addi %mul3A_2, %mul3A_361 : i32
      %dma_start3A_363 = arith.constant 0 : i32
      %dma_start3A_364 = tpu.memref_slice %arg4[%add3A_362, %dma_start3A_363] : memref<819200x128xf32, #tpu.memory_space<hbm>> -> memref<128x128xf32, #tpu.memory_space<hbm>>
      %dma_start3A_365 = arith.constant 0 : i32
      %dma_start3A_366 = tpu.memref_slice %arg4[%add3A_362, %dma_start3A_365] : memref<819200x128xf32, #tpu.memory_space<hbm>> -> memref<128x128xf32, #tpu.memory_space<hbm>>
      tpu.enqueue_dma source(%arg8 : memref<128x128xf32, #tpu.memory_space<vmem>>) target(%dma_start3A_366 : memref<128x128xf32, #tpu.memory_space<hbm>>) target_semaphore(%arg18 : memref<!tpu.dma_semaphore, #tpu.memory_space<semaphore_mem>>)
      %mul3A_367 = arith.constant 5 : i32
      %mul3A_368 = arith.muli %scan3A_265, %mul3A_367 : i32
      %add3A_369 = arith.constant 3 : i32
      %add3A_370 = arith.addi %mul3A_368, %add3A_369 : i32
      %sub3A_371 = arith.constant 2 : i32
      %sub3A_372 = arith.subi %add3A_370, %sub3A_371 : i32
      %mul3A_373 = arith.constant 128 : i32
      %mul3A_374 = arith.muli %sub3A_372, %mul3A_373 : i32
      %add3A_375 = arith.addi %mul3A_2, %mul3A_374 : i32
      %dma_wait3A_376 = arith.constant 0 : i32
      %dma_wait3A_377 = tpu.memref_slice %arg4[%add3A_375, %dma_wait3A_376] : memref<819200x128xf32, #tpu.memory_space<hbm>> -> memref<128x128xf32, #tpu.memory_space<hbm>>
      %dma_wait3A_378 = arith.constant 0 : i32
      %dma_wait3A_379 = tpu.memref_slice %arg4[%add3A_375, %dma_wait3A_378] : memref<819200x128xf32, #tpu.memory_space<hbm>> -> memref<128x128xf32, #tpu.memory_space<hbm>>
      tpu.wait_dma2 semaphore(%arg17 : memref<!tpu.dma_semaphore, #tpu.memory_space<semaphore_mem>>) src(%arg7 : memref<128x128xf32, #tpu.memory_space<vmem>>) dst(%dma_wait3A_379 : memref<128x128xf32, #tpu.memory_space<hbm>>)
      %add3A_380 = arith.constant 3 : i32
      %add3A_381 = arith.addi %add3A_370, %add3A_380 : i32
      %dma_start3A_382 = arith.constant 0 : i32
      %dma_start3A_383 = tpu.memref_slice %arg5[%add3A_381, %dma_start3A_382] : memref<200x128xi32, #tpu.memory_space<vmem>> -> memref<1x128xi32, #tpu.memory_space<vmem>>
      %dma_start3A_384 = tpu.memref_squeeze %dma_start3A_383 : memref<1x128xi32, #tpu.memory_space<vmem>> -> memref<128xi32, #tpu.memory_space<vmem>>
      %dma_start3A_385 = arith.constant 0 : i32
      %dma_start3A_386 = arith.constant 0 : i32
      %dma_start3A_387 = tpu.memref_slice %arg2[%dma_start3A_385, %dma_start3A_386] : memref<100002x128xf32, #tpu.memory_space<hbm>> -> memref<100002x128xf32, #tpu.memory_space<hbm>>
      tpu.enqueue_indirect_dma source(%dma_start3A_387 : memref<100002x128xf32, #tpu.memory_space<hbm>>) target(%arg7 : memref<128x128xf32, #tpu.memory_space<vmem>>) offsets(%dma_start3A_384 : memref<128xi32, #tpu.memory_space<vmem>>) semaphore(%arg12 : memref<!tpu.dma_semaphore, #tpu.memory_space<semaphore_mem>>)
      %dma_wait3A_388 = arith.constant 0 : i32
      %dma_wait3A_389 = tpu.memref_slice %arg5[%add3A_370, %dma_wait3A_388] : memref<200x128xi32, #tpu.memory_space<vmem>> -> memref<1x128xi32, #tpu.memory_space<vmem>>
      %dma_wait3A_390 = tpu.memref_squeeze %dma_wait3A_389 : memref<1x128xi32, #tpu.memory_space<vmem>> -> memref<128xi32, #tpu.memory_space<vmem>>
      %dma_wait3A_391 = arith.constant 0 : i32
      %dma_wait3A_392 = arith.constant 0 : i32
      %dma_wait3A_393 = tpu.memref_slice %arg2[%dma_wait3A_391, %dma_wait3A_392] : memref<100002x128xf32, #tpu.memory_space<hbm>> -> memref<100002x128xf32, #tpu.memory_space<hbm>>
      tpu.wait_indirect_dma semaphore(%arg14 : memref<!tpu.dma_semaphore, #tpu.memory_space<semaphore_mem>>) src(%dma_wait3A_393 : memref<100002x128xf32, #tpu.memory_space<hbm>>) dst(%arg9 : memref<128x128xf32, #tpu.memory_space<vmem>>)
      %mul3A_394 = arith.constant 128 : i32
      %mul3A_395 = arith.muli %add3A_370, %mul3A_394 : i32
      %add3A_396 = arith.addi %mul3A_2, %mul3A_395 : i32
      %dma_start3A_397 = arith.constant 0 : i32
      %dma_start3A_398 = tpu.memref_slice %arg4[%add3A_396, %dma_start3A_397] : memref<819200x128xf32, #tpu.memory_space<hbm>> -> memref<128x128xf32, #tpu.memory_space<hbm>>
      %dma_start3A_399 = arith.constant 0 : i32
      %dma_start3A_400 = tpu.memref_slice %arg4[%add3A_396, %dma_start3A_399] : memref<819200x128xf32, #tpu.memory_space<hbm>> -> memref<128x128xf32, #tpu.memory_space<hbm>>
      tpu.enqueue_dma source(%arg9 : memref<128x128xf32, #tpu.memory_space<vmem>>) target(%dma_start3A_400 : memref<128x128xf32, #tpu.memory_space<hbm>>) target_semaphore(%arg19 : memref<!tpu.dma_semaphore, #tpu.memory_space<semaphore_mem>>)
      %mul3A_401 = arith.constant 5 : i32
      %mul3A_402 = arith.muli %scan3A_265, %mul3A_401 : i32
      %add3A_403 = arith.constant 4 : i32
      %add3A_404 = arith.addi %mul3A_402, %add3A_403 : i32
      %sub3A_405 = arith.constant 2 : i32
      %sub3A_406 = arith.subi %add3A_404, %sub3A_405 : i32
      %mul3A_407 = arith.constant 128 : i32
      %mul3A_408 = arith.muli %sub3A_406, %mul3A_407 : i32
      %add3A_409 = arith.addi %mul3A_2, %mul3A_408 : i32
      %dma_wait3A_410 = arith.constant 0 : i32
      %dma_wait3A_411 = tpu.memref_slice %arg4[%add3A_409, %dma_wait3A_410] : memref<819200x128xf32, #tpu.memory_space<hbm>> -> memref<128x128xf32, #tpu.memory_space<hbm>>
      %dma_wait3A_412 = arith.constant 0 : i32
      %dma_wait3A_413 = tpu.memref_slice %arg4[%add3A_409, %dma_wait3A_412] : memref<819200x128xf32, #tpu.memory_space<hbm>> -> memref<128x128xf32, #tpu.memory_space<hbm>>
      tpu.wait_dma2 semaphore(%arg18 : memref<!tpu.dma_semaphore, #tpu.memory_space<semaphore_mem>>) src(%arg8 : memref<128x128xf32, #tpu.memory_space<vmem>>) dst(%dma_wait3A_413 : memref<128x128xf32, #tpu.memory_space<hbm>>)
      %add3A_414 = arith.constant 3 : i32
      %add3A_415 = arith.addi %add3A_404, %add3A_414 : i32
      %dma_start3A_416 = arith.constant 0 : i32
      %dma_start3A_417 = tpu.memref_slice %arg5[%add3A_415, %dma_start3A_416] : memref<200x128xi32, #tpu.memory_space<vmem>> -> memref<1x128xi32, #tpu.memory_space<vmem>>
      %dma_start3A_418 = tpu.memref_squeeze %dma_start3A_417 : memref<1x128xi32, #tpu.memory_space<vmem>> -> memref<128xi32, #tpu.memory_space<vmem>>
      %dma_start3A_419 = arith.constant 0 : i32
      %dma_start3A_420 = arith.constant 0 : i32
      %dma_start3A_421 = tpu.memref_slice %arg2[%dma_start3A_419, %dma_start3A_420] : memref<100002x128xf32, #tpu.memory_space<hbm>> -> memref<100002x128xf32, #tpu.memory_space<hbm>>
      tpu.enqueue_indirect_dma source(%dma_start3A_421 : memref<100002x128xf32, #tpu.memory_space<hbm>>) target(%arg8 : memref<128x128xf32, #tpu.memory_space<vmem>>) offsets(%dma_start3A_418 : memref<128xi32, #tpu.memory_space<vmem>>) semaphore(%arg13 : memref<!tpu.dma_semaphore, #tpu.memory_space<semaphore_mem>>)
      %dma_wait3A_422 = arith.constant 0 : i32
      %dma_wait3A_423 = tpu.memref_slice %arg5[%add3A_404, %dma_wait3A_422] : memref<200x128xi32, #tpu.memory_space<vmem>> -> memref<1x128xi32, #tpu.memory_space<vmem>>
      %dma_wait3A_424 = tpu.memref_squeeze %dma_wait3A_423 : memref<1x128xi32, #tpu.memory_space<vmem>> -> memref<128xi32, #tpu.memory_space<vmem>>
      %dma_wait3A_425 = arith.constant 0 : i32
      %dma_wait3A_426 = arith.constant 0 : i32
      %dma_wait3A_427 = tpu.memref_slice %arg2[%dma_wait3A_425, %dma_wait3A_426] : memref<100002x128xf32, #tpu.memory_space<hbm>> -> memref<100002x128xf32, #tpu.memory_space<hbm>>
      tpu.wait_indirect_dma semaphore(%arg15 : memref<!tpu.dma_semaphore, #tpu.memory_space<semaphore_mem>>) src(%dma_wait3A_427 : memref<100002x128xf32, #tpu.memory_space<hbm>>) dst(%arg10 : memref<128x128xf32, #tpu.memory_space<vmem>>)
      %mul3A_428 = arith.constant 128 : i32
      %mul3A_429 = arith.muli %add3A_404, %mul3A_428 : i32
      %add3A_430 = arith.addi %mul3A_2, %mul3A_429 : i32
      %dma_start3A_431 = arith.constant 0 : i32
      %dma_start3A_432 = tpu.memref_slice %arg4[%add3A_430, %dma_start3A_431] : memref<819200x128xf32, #tpu.memory_space<hbm>> -> memref<128x128xf32, #tpu.memory_space<hbm>>
      %dma_start3A_433 = arith.constant 0 : i32
      %dma_start3A_434 = tpu.memref_slice %arg4[%add3A_430, %dma_start3A_433] : memref<819200x128xf32, #tpu.memory_space<hbm>> -> memref<128x128xf32, #tpu.memory_space<hbm>>
      tpu.enqueue_dma source(%arg10 : memref<128x128xf32, #tpu.memory_space<vmem>>) target(%dma_start3A_434 : memref<128x128xf32, #tpu.memory_space<hbm>>) target_semaphore(%arg20 : memref<!tpu.dma_semaphore, #tpu.memory_space<semaphore_mem>>)
    }
    %scan3A_143 = arith.constant 38 : i32
    %add3A_144 = arith.constant 24704 : i32
    %add3A_145 = arith.addi %mul3A_2, %add3A_144 : i32
    %dma_wait3A_146 = arith.constant 0 : i32
    %dma_wait3A_147 = tpu.memref_slice %arg4[%add3A_145, %dma_wait3A_146] : memref<819200x128xf32, #tpu.memory_space<hbm>> -> memref<128x128xf32, #tpu.memory_space<hbm>>
    %dma_wait3A_148 = arith.constant 0 : i32
    %dma_wait3A_149 = tpu.memref_slice %arg4[%add3A_145, %dma_wait3A_148] : memref<819200x128xf32, #tpu.memory_space<hbm>> -> memref<128x128xf32, #tpu.memory_space<hbm>>
    tpu.wait_dma2 semaphore(%arg19 : memref<!tpu.dma_semaphore, #tpu.memory_space<semaphore_mem>>) src(%arg9 : memref<128x128xf32, #tpu.memory_space<vmem>>) dst(%dma_wait3A_149 : memref<128x128xf32, #tpu.memory_space<hbm>>)
    %dma_start3A_150 = arith.constant 198 : i32
    %dma_start3A_151 = arith.constant 0 : i32
    %dma_start3A_152 = tpu.memref_slice %arg5[%dma_start3A_150, %dma_start3A_151] : memref<200x128xi32, #tpu.memory_space<vmem>> -> memref<1x128xi32, #tpu.memory_space<vmem>>
    %dma_start3A_153 = tpu.memref_squeeze %dma_start3A_152 : memref<1x128xi32, #tpu.memory_space<vmem>> -> memref<128xi32, #tpu.memory_space<vmem>>
    %dma_start3A_154 = arith.constant 0 : i32
    %dma_start3A_155 = arith.constant 0 : i32
    %dma_start3A_156 = tpu.memref_slice %arg2[%dma_start3A_154, %dma_start3A_155] : memref<100002x128xf32, #tpu.memory_space<hbm>> -> memref<100002x128xf32, #tpu.memory_space<hbm>>
    tpu.enqueue_indirect_dma source(%dma_start3A_156 : memref<100002x128xf32, #tpu.memory_space<hbm>>) target(%arg9 : memref<128x128xf32, #tpu.memory_space<vmem>>) offsets(%dma_start3A_153 : memref<128xi32, #tpu.memory_space<vmem>>) semaphore(%arg14 : memref<!tpu.dma_semaphore, #tpu.memory_space<semaphore_mem>>)
    %dma_wait3A_157 = arith.constant 195 : i32
    %dma_wait3A_158 = arith.constant 0 : i32
    %dma_wait3A_159 = tpu.memref_slice %arg5[%dma_wait3A_157, %dma_wait3A_158] : memref<200x128xi32, #tpu.memory_space<vmem>> -> memref<1x128xi32, #tpu.memory_space<vmem>>
    %dma_wait3A_160 = tpu.memref_squeeze %dma_wait3A_159 : memref<1x128xi32, #tpu.memory_space<vmem>> -> memref<128xi32, #tpu.memory_space<vmem>>
    %dma_wait3A_161 = arith.constant 0 : i32
    %dma_wait3A_162 = arith.constant 0 : i32
    %dma_wait3A_163 = tpu.memref_slice %arg2[%dma_wait3A_161, %dma_wait3A_162] : memref<100002x128xf32, #tpu.memory_space<hbm>> -> memref<100002x128xf32, #tpu.memory_space<hbm>>
    tpu.wait_indirect_dma semaphore(%arg11 : memref<!tpu.dma_semaphore, #tpu.memory_space<semaphore_mem>>) src(%dma_wait3A_163 : memref<100002x128xf32, #tpu.memory_space<hbm>>) dst(%arg6 : memref<128x128xf32, #tpu.memory_space<vmem>>)
    %add3A_164 = arith.constant 24960 : i32
    %add3A_165 = arith.addi %mul3A_2, %add3A_164 : i32
    %dma_start3A_166 = arith.constant 0 : i32
    %dma_start3A_167 = tpu.memref_slice %arg4[%add3A_165, %dma_start3A_166] : memref<819200x128xf32, #tpu.memory_space<hbm>> -> memref<128x128xf32, #tpu.memory_space<hbm>>
    %dma_start3A_168 = arith.constant 0 : i32
    %dma_start3A_169 = tpu.memref_slice %arg4[%add3A_165, %dma_start3A_168] : memref<819200x128xf32, #tpu.memory_space<hbm>> -> memref<128x128xf32, #tpu.memory_space<hbm>>
    tpu.enqueue_dma source(%arg6 : memref<128x128xf32, #tpu.memory_space<vmem>>) target(%dma_start3A_169 : memref<128x128xf32, #tpu.memory_space<hbm>>) target_semaphore(%arg16 : memref<!tpu.dma_semaphore, #tpu.memory_space<semaphore_mem>>)
    %add3A_170 = arith.constant 24832 : i32
    %add3A_171 = arith.addi %mul3A_2, %add3A_170 : i32
    %dma_wait3A_172 = arith.constant 0 : i32
    %dma_wait3A_173 = tpu.memref_slice %arg4[%add3A_171, %dma_wait3A_172] : memref<819200x128xf32, #tpu.memory_space<hbm>> -> memref<128x128xf32, #tpu.memory_space<hbm>>
    %dma_wait3A_174 = arith.constant 0 : i32
    %dma_wait3A_175 = tpu.memref_slice %arg4[%add3A_171, %dma_wait3A_174] : memref<819200x128xf32, #tpu.memory_space<hbm>> -> memref<128x128xf32, #tpu.memory_space<hbm>>
    tpu.wait_dma2 semaphore(%arg20 : memref<!tpu.dma_semaphore, #tpu.memory_space<semaphore_mem>>) src(%arg10 : memref<128x128xf32, #tpu.memory_space<vmem>>) dst(%dma_wait3A_175 : memref<128x128xf32, #tpu.memory_space<hbm>>)
    %dma_start3A_176 = arith.constant 199 : i32
    %dma_start3A_177 = arith.constant 0 : i32
    %dma_start3A_178 = tpu.memref_slice %arg5[%dma_start3A_176, %dma_start3A_177] : memref<200x128xi32, #tpu.memory_space<vmem>> -> memref<1x128xi32, #tpu.memory_space<vmem>>
    %dma_start3A_179 = tpu.memref_squeeze %dma_start3A_178 : memref<1x128xi32, #tpu.memory_space<vmem>> -> memref<128xi32, #tpu.memory_space<vmem>>
    %dma_start3A_180 = arith.constant 0 : i32
    %dma_start3A_181 = arith.constant 0 : i32
    %dma_start3A_182 = tpu.memref_slice %arg2[%dma_start3A_180, %dma_start3A_181] : memref<100002x128xf32, #tpu.memory_space<hbm>> -> memref<100002x128xf32, #tpu.memory_space<hbm>>
    tpu.enqueue_indirect_dma source(%dma_start3A_182 : memref<100002x128xf32, #tpu.memory_space<hbm>>) target(%arg10 : memref<128x128xf32, #tpu.memory_space<vmem>>) offsets(%dma_start3A_179 : memref<128xi32, #tpu.memory_space<vmem>>) semaphore(%arg15 : memref<!tpu.dma_semaphore, #tpu.memory_space<semaphore_mem>>)
    %dma_wait3A_183 = arith.constant 196 : i32
    %dma_wait3A_184 = arith.constant 0 : i32
    %dma_wait3A_185 = tpu.memref_slice %arg5[%dma_wait3A_183, %dma_wait3A_184] : memref<200x128xi32, #tpu.memory_space<vmem>> -> memref<1x128xi32, #tpu.memory_space<vmem>>
    %dma_wait3A_186 = tpu.memref_squeeze %dma_wait3A_185 : memref<1x128xi32, #tpu.memory_space<vmem>> -> memref<128xi32, #tpu.memory_space<vmem>>
    %dma_wait3A_187 = arith.constant 0 : i32
    %dma_wait3A_188 = arith.constant 0 : i32
    %dma_wait3A_189 = tpu.memref_slice %arg2[%dma_wait3A_187, %dma_wait3A_188] : memref<100002x128xf32, #tpu.memory_space<hbm>> -> memref<100002x128xf32, #tpu.memory_space<hbm>>
    tpu.wait_indirect_dma semaphore(%arg12 : memref<!tpu.dma_semaphore, #tpu.memory_space<semaphore_mem>>) src(%dma_wait3A_189 : memref<100002x128xf32, #tpu.memory_space<hbm>>) dst(%arg7 : memref<128x128xf32, #tpu.memory_space<vmem>>)
    %add3A_190 = arith.constant 25088 : i32
    %add3A_191 = arith.addi %mul3A_2, %add3A_190 : i32
    %dma_start3A_192 = arith.constant 0 : i32
    %dma_start3A_193 = tpu.memref_slice %arg4[%add3A_191, %dma_start3A_192] : memref<819200x128xf32, #tpu.memory_space<hbm>> -> memref<128x128xf32, #tpu.memory_space<hbm>>
    %dma_start3A_194 = arith.constant 0 : i32
    %dma_start3A_195 = tpu.memref_slice %arg4[%add3A_191, %dma_start3A_194] : memref<819200x128xf32, #tpu.memory_space<hbm>> -> memref<128x128xf32, #tpu.memory_space<hbm>>
    tpu.enqueue_dma source(%arg7 : memref<128x128xf32, #tpu.memory_space<vmem>>) target(%dma_start3A_195 : memref<128x128xf32, #tpu.memory_space<hbm>>) target_semaphore(%arg17 : memref<!tpu.dma_semaphore, #tpu.memory_space<semaphore_mem>>)
    %add3A_196 = arith.constant 24960 : i32
    %add3A_197 = arith.addi %mul3A_2, %add3A_196 : i32
    %dma_wait3A_198 = arith.constant 0 : i32
    %dma_wait3A_199 = tpu.memref_slice %arg4[%add3A_197, %dma_wait3A_198] : memref<819200x128xf32, #tpu.memory_space<hbm>> -> memref<128x128xf32, #tpu.memory_space<hbm>>
    %dma_wait3A_200 = arith.constant 0 : i32
    %dma_wait3A_201 = tpu.memref_slice %arg4[%add3A_197, %dma_wait3A_200] : memref<819200x128xf32, #tpu.memory_space<hbm>> -> memref<128x128xf32, #tpu.memory_space<hbm>>
    tpu.wait_dma2 semaphore(%arg16 : memref<!tpu.dma_semaphore, #tpu.memory_space<semaphore_mem>>) src(%arg6 : memref<128x128xf32, #tpu.memory_space<vmem>>) dst(%dma_wait3A_201 : memref<128x128xf32, #tpu.memory_space<hbm>>)
    %dma_wait3A_202 = arith.constant 197 : i32
    %dma_wait3A_203 = arith.constant 0 : i32
    %dma_wait3A_204 = tpu.memref_slice %arg5[%dma_wait3A_202, %dma_wait3A_203] : memref<200x128xi32, #tpu.memory_space<vmem>> -> memref<1x128xi32, #tpu.memory_space<vmem>>
    %dma_wait3A_205 = tpu.memref_squeeze %dma_wait3A_204 : memref<1x128xi32, #tpu.memory_space<vmem>> -> memref<128xi32, #tpu.memory_space<vmem>>
    %dma_wait3A_206 = arith.constant 0 : i32
    %dma_wait3A_207 = arith.constant 0 : i32
    %dma_wait3A_208 = tpu.memref_slice %arg2[%dma_wait3A_206, %dma_wait3A_207] : memref<100002x128xf32, #tpu.memory_space<hbm>> -> memref<100002x128xf32, #tpu.memory_space<hbm>>
    tpu.wait_indirect_dma semaphore(%arg13 : memref<!tpu.dma_semaphore, #tpu.memory_space<semaphore_mem>>) src(%dma_wait3A_208 : memref<100002x128xf32, #tpu.memory_space<hbm>>) dst(%arg8 : memref<128x128xf32, #tpu.memory_space<vmem>>)
    %add3A_209 = arith.constant 25216 : i32
    %add3A_210 = arith.addi %mul3A_2, %add3A_209 : i32
    %dma_start3A_211 = arith.constant 0 : i32
    %dma_start3A_212 = tpu.memref_slice %arg4[%add3A_210, %dma_start3A_211] : memref<819200x128xf32, #tpu.memory_space<hbm>> -> memref<128x128xf32, #tpu.memory_space<hbm>>
    %dma_start3A_213 = arith.constant 0 : i32
    %dma_start3A_214 = tpu.memref_slice %arg4[%add3A_210, %dma_start3A_213] : memref<819200x128xf32, #tpu.memory_space<hbm>> -> memref<128x128xf32, #tpu.memory_space<hbm>>
    tpu.enqueue_dma source(%arg8 : memref<128x128xf32, #tpu.memory_space<vmem>>) target(%dma_start3A_214 : memref<128x128xf32, #tpu.memory_space<hbm>>) target_semaphore(%arg18 : memref<!tpu.dma_semaphore, #tpu.memory_space<semaphore_mem>>)
    %add3A_215 = arith.constant 25088 : i32
    %add3A_216 = arith.addi %mul3A_2, %add3A_215 : i32
    %dma_wait3A_217 = arith.constant 0 : i32
    %dma_wait3A_218 = tpu.memref_slice %arg4[%add3A_216, %dma_wait3A_217] : memref<819200x128xf32, #tpu.memory_space<hbm>> -> memref<128x128xf32, #tpu.memory_space<hbm>>
    %dma_wait3A_219 = arith.constant 0 : i32
    %dma_wait3A_220 = tpu.memref_slice %arg4[%add3A_216, %dma_wait3A_219] : memref<819200x128xf32, #tpu.memory_space<hbm>> -> memref<128x128xf32, #tpu.memory_space<hbm>>
    tpu.wait_dma2 semaphore(%arg17 : memref<!tpu.dma_semaphore, #tpu.memory_space<semaphore_mem>>) src(%arg7 : memref<128x128xf32, #tpu.memory_space<vmem>>) dst(%dma_wait3A_220 : memref<128x128xf32, #tpu.memory_space<hbm>>)
    %dma_wait3A_221 = arith.constant 198 : i32
    %dma_wait3A_222 = arith.constant 0 : i32
    %dma_wait3A_223 = tpu.memref_slice %arg5[%dma_wait3A_221, %dma_wait3A_222] : memref<200x128xi32, #tpu.memory_space<vmem>> -> memref<1x128xi32, #tpu.memory_space<vmem>>
    %dma_wait3A_224 = tpu.memref_squeeze %dma_wait3A_223 : memref<1x128xi32, #tpu.memory_space<vmem>> -> memref<128xi32, #tpu.memory_space<vmem>>
    %dma_wait3A_225 = arith.constant 0 : i32
    %dma_wait3A_226 = arith.constant 0 : i32
    %dma_wait3A_227 = tpu.memref_slice %arg2[%dma_wait3A_225, %dma_wait3A_226] : memref<100002x128xf32, #tpu.memory_space<hbm>> -> memref<100002x128xf32, #tpu.memory_space<hbm>>
    tpu.wait_indirect_dma semaphore(%arg14 : memref<!tpu.dma_semaphore, #tpu.memory_space<semaphore_mem>>) src(%dma_wait3A_227 : memref<100002x128xf32, #tpu.memory_space<hbm>>) dst(%arg9 : memref<128x128xf32, #tpu.memory_space<vmem>>)
    %add3A_228 = arith.constant 25344 : i32
    %add3A_229 = arith.addi %mul3A_2, %add3A_228 : i32
    %dma_start3A_230 = arith.constant 0 : i32
    %dma_start3A_231 = tpu.memref_slice %arg4[%add3A_229, %dma_start3A_230] : memref<819200x128xf32, #tpu.memory_space<hbm>> -> memref<128x128xf32, #tpu.memory_space<hbm>>
    %dma_start3A_232 = arith.constant 0 : i32
    %dma_start3A_233 = tpu.memref_slice %arg4[%add3A_229, %dma_start3A_232] : memref<819200x128xf32, #tpu.memory_space<hbm>> -> memref<128x128xf32, #tpu.memory_space<hbm>>
    tpu.enqueue_dma source(%arg9 : memref<128x128xf32, #tpu.memory_space<vmem>>) target(%dma_start3A_233 : memref<128x128xf32, #tpu.memory_space<hbm>>) target_semaphore(%arg19 : memref<!tpu.dma_semaphore, #tpu.memory_space<semaphore_mem>>)
    %add3A_234 = arith.constant 25216 : i32
    %add3A_235 = arith.addi %mul3A_2, %add3A_234 : i32
    %dma_wait3A_236 = arith.constant 0 : i32
    %dma_wait3A_237 = tpu.memref_slice %arg4[%add3A_235, %dma_wait3A_236] : memref<819200x128xf32, #tpu.memory_space<hbm>> -> memref<128x128xf32, #tpu.memory_space<hbm>>
    %dma_wait3A_238 = arith.constant 0 : i32
    %dma_wait3A_239 = tpu.memref_slice %arg4[%add3A_235, %dma_wait3A_238] : memref<819200x128xf32, #tpu.memory_space<hbm>> -> memref<128x128xf32, #tpu.memory_space<hbm>>
    tpu.wait_dma2 semaphore(%arg18 : memref<!tpu.dma_semaphore, #tpu.memory_space<semaphore_mem>>) src(%arg8 : memref<128x128xf32, #tpu.memory_space<vmem>>) dst(%dma_wait3A_239 : memref<128x128xf32, #tpu.memory_space<hbm>>)
    %dma_wait3A_240 = arith.constant 199 : i32
    %dma_wait3A_241 = arith.constant 0 : i32
    %dma_wait3A_242 = tpu.memref_slice %arg5[%dma_wait3A_240, %dma_wait3A_241] : memref<200x128xi32, #tpu.memory_space<vmem>> -> memref<1x128xi32, #tpu.memory_space<vmem>>
    %dma_wait3A_243 = tpu.memref_squeeze %dma_wait3A_242 : memref<1x128xi32, #tpu.memory_space<vmem>> -> memref<128xi32, #tpu.memory_space<vmem>>
    %dma_wait3A_244 = arith.constant 0 : i32
    %dma_wait3A_245 = arith.constant 0 : i32
    %dma_wait3A_246 = tpu.memref_slice %arg2[%dma_wait3A_244, %dma_wait3A_245] : memref<100002x128xf32, #tpu.memory_space<hbm>> -> memref<100002x128xf32, #tpu.memory_space<hbm>>
    tpu.wait_indirect_dma semaphore(%arg15 : memref<!tpu.dma_semaphore, #tpu.memory_space<semaphore_mem>>) src(%dma_wait3A_246 : memref<100002x128xf32, #tpu.memory_space<hbm>>) dst(%arg10 : memref<128x128xf32, #tpu.memory_space<vmem>>)
    %add3A_247 = arith.constant 25472 : i32
    %add3A_248 = arith.addi %mul3A_2, %add3A_247 : i32
    %dma_start3A_249 = arith.constant 0 : i32
    %dma_start3A_250 = tpu.memref_slice %arg4[%add3A_248, %dma_start3A_249] : memref<819200x128xf32, #tpu.memory_space<hbm>> -> memref<128x128xf32, #tpu.memory_space<hbm>>
    %dma_start3A_251 = arith.constant 0 : i32
    %dma_start3A_252 = tpu.memref_slice %arg4[%add3A_248, %dma_start3A_251] : memref<819200x128xf32, #tpu.memory_space<hbm>> -> memref<128x128xf32, #tpu.memory_space<hbm>>
    tpu.enqueue_dma source(%arg10 : memref<128x128xf32, #tpu.memory_space<vmem>>) target(%dma_start3A_252 : memref<128x128xf32, #tpu.memory_space<hbm>>) target_semaphore(%arg20 : memref<!tpu.dma_semaphore, #tpu.memory_space<semaphore_mem>>)
    %add3A_253 = arith.constant 25344 : i32
    %add3A_254 = arith.addi %mul3A_2, %add3A_253 : i32
    %dma_wait3A_255 = arith.constant 0 : i32
    %dma_wait3A_256 = tpu.memref_slice %arg4[%add3A_254, %dma_wait3A_255] : memref<819200x128xf32, #tpu.memory_space<hbm>> -> memref<128x128xf32, #tpu.memory_space<hbm>>
    %dma_wait3A_257 = arith.constant 0 : i32
    %dma_wait3A_258 = tpu.memref_slice %arg4[%add3A_254, %dma_wait3A_257] : memref<819200x128xf32, #tpu.memory_space<hbm>> -> memref<128x128xf32, #tpu.memory_space<hbm>>
    tpu.wait_dma2 semaphore(%arg19 : memref<!tpu.dma_semaphore, #tpu.memory_space<semaphore_mem>>) src(%arg9 : memref<128x128xf32, #tpu.memory_space<vmem>>) dst(%dma_wait3A_258 : memref<128x128xf32, #tpu.memory_space<hbm>>)
    %add3A_259 = arith.constant 25472 : i32
    %add3A_260 = arith.addi %mul3A_2, %add3A_259 : i32
    %dma_wait3A_261 = arith.constant 0 : i32
    %dma_wait3A_262 = tpu.memref_slice %arg4[%add3A_260, %dma_wait3A_261] : memref<819200x128xf32, #tpu.memory_space<hbm>> -> memref<128x128xf32, #tpu.memory_space<hbm>>
    %dma_wait3A_263 = arith.constant 0 : i32
    %dma_wait3A_264 = tpu.memref_slice %arg4[%add3A_260, %dma_wait3A_263] : memref<819200x128xf32, #tpu.memory_space<hbm>> -> memref<128x128xf32, #tpu.memory_space<hbm>>
    tpu.wait_dma2 semaphore(%arg20 : memref<!tpu.dma_semaphore, #tpu.memory_space<semaphore_mem>>) src(%arg10 : memref<128x128xf32, #tpu.memory_space<vmem>>) dst(%dma_wait3A_264 : memref<128x128xf32, #tpu.memory_space<hbm>>)
    return
  }
}

module attributes {stable_mosaic.version = 14 : i64} {
  func.func @_pad_body(%arg0: i32, %arg1: memref<1024x100xf32, #tpu.memory_space<vmem>>, %arg2: memref<1024x128xf32, #tpu.memory_space<vmem>>) attributes {dimension_semantics = [#tpu.dimension_semantics<arbitrary>], iteration_bounds = array<i64: 98>, scalar_prefetch = 0 : i64, scratch_operands = 0 : i64, tpu.core_type = #tpu.core_type<tc>, window_params = [{transform_indices = @transform_0, window_bounds = array<i64: 1024, 100>}, {transform_indices = @transform_1, window_bounds = array<i64: 1024, 128>}]} {
    %get3A = arith.constant 0 : index
    %get3A_0 = arith.constant 0 : index
    %get3A_1 = vector.load %arg1[%get3A, %get3A_0] : memref<1024x100xf32, #tpu.memory_space<vmem>>, vector<1024x100xf32>
    %broadcast_in_dim3A = arith.constant 0.000000e+00 : f32
    %broadcast_in_dim3A_2 = vector.broadcast %broadcast_in_dim3A : f32 to vector<1024x28xf32>
    %concatenate3A = tpu.concatenate %get3A_1, %broadcast_in_dim3A_2 in 1 : vector<1024x100xf32>, vector<1024x28xf32> -> vector<1024x128xf32>
    %swap3A = arith.constant 0 : index
    %swap3A_3 = arith.constant 0 : index
    %swap3A_4 = vector.load %arg2[%swap3A, %swap3A_3] : memref<1024x128xf32, #tpu.memory_space<vmem>>, vector<1024x128xf32>
    tpu.vector_store %arg2[%swap3A, %swap3A_3], %concatenate3A {strides = array<i32>} : memref<1024x128xf32, #tpu.memory_space<vmem>>, vector<1024x128xf32>,
    return
  }
  func.func @transform_0(%arg0: i32) -> (i32, i32) {
    %c0_i32 = arith.constant 0 : i32
    %c0_i32_0 = arith.constant 0 : i32
    return %arg0, %c0_i32 : i32, i32
  }
  func.func @transform_1(%arg0: i32) -> (i32, i32) {
    %c0_i32 = arith.constant 0 : i32
    %c0_i32_0 = arith.constant 0 : i32
    return %arg0, %c0_i32 : i32, i32
  }
}

</mosaic_0001>

<sc_bundles>
// kernel: kernel.4.cloned.1.call-start
scs
__scs_entry_jumppad:
0x0: {  	(pc) =	sbr.rel $0x88, $3  }
0x1: {  	(tag) =	ssettag $0x0;
	lr =	simm.s32 $0x1  }
0x2: {  	[smem:$0x3F9F] =	sst lr;
	_ =	strace $0xD0000000  }
0x3: {  	_ = 	snop  }
0x4: {  	_ = 	snop  }
0x5: {  	_ = 	snop  }
0x6: {  	_ = 	snop  }
0x7: {  	_ = 	snop  }
__scs_overlays_trampoline_lowered:
0x8: {  	[smem:$0x3FAE] =	sst s0  }
0x9: {  	[smem:$0x3FAF] =	sst s1  }
0xa: {  	[smem:$0x3FB0] =	sst s2  }
0xb: {  	[smem:$0x3FB1] =	sst s3  }
0xc: {  	[smem:$0x3FB2] =	sst s4  }
0xd: {  	[smem:$0x3FB3] =	sst s5  }
0xe: {  	[smem:$0x3FB4] =	sst s6  }
0xf: {  	[smem:$0x3FB5] =	sst s7  }
0x10: {  	[smem:$0x3FB6] =	sst s8  }
0x11: {  	[smem:$0x3FB7] =	sst s9;
	s0 =	simm.s32 @!p0 $0x0  }
0x12: {  	s1 =	sld [smem:$0x3F9D];
	s0 =	simm.s32 @p0 $0x1  }
0x13: {  	[smem:$0x3FB8] =	sst s0;
	s0 =	simm.s32 @!p1 $0x0  }
0x14: {  	s2 =	sld [smem:$0x3F9C];
	s0 =	simm.s32 @p1 $0x1  }
0x15: {  	[smem:$0x3FB9] =	sst s0;
	s0 =	simm.s32 @!p2 $0x0  }
0x16: {  	s3 =	sld [smem:$0x3FDB];
	s0 =	simm.s32 @p2 $0x1  }
0x17: {  	s4 =	simm.s32 $0x1BF5;
	[smem:$0x3FBB] =	sst s0  }
0x18: {  	s0 =	sld [smem:$0x3F9E];
	_ =	swait.ge [sflag:s4], $0x0  }
0x19: {  	s7 =	sld [smem:$0x3F9F]  }
0x1a: {  	s8 =	sadd.s32 $0xFFFFE003, lr  }
0x1b: {  	s9 =	sadd.s32 $0xFFFFFEF7, lr;
	s5 =	simm.s32 $0xFFFFFFFF;
	p2 =	slt.u32 s8, $0xFFFFF086  }
0x1c: {  	p1 =	slt.u32 s9, $0xF7A;
	s5 =	simm.s32 @!p2 $0x0  }
0x1d: {  	s5 =	simm.s32 @p1 $0x1;
	p0 =	seq.s32 s7, s2  }
0x1e: {  	s7 =	smul.u32 @!p0 $0xF7A, s2;
	p2 =	seq.s32 @!p0 s5, $0x0  }
0x1f: {  	s9 =	smul.u32 $0xF7A, s1;
	s8 =	simm.s32 @!p0 $0x1BF5;
	p2 =	por !p2, p0  }
0x20: {  	[sflag:s8] =	ssyncset.s32 @!p0 $0xFFFFF086;
	s6 =	sadd.s32 @!p0 s3, s7;
	s7 =	simm.s32 @!p0 $0x108  }
0x21: {  	s3 =	sadd.s32 s3, s9;
	s6 =	sadd.s32 @!p0 $0x88, s6;
	s7 =	simm.s32 @p2 $0x1082  }
0x22: {  	[simem:s7], [sflag:s8] =	dma.local @!p0 [hbm:s6], $0xF7A  }
0x23: {  	s9 =	sor.u32 $0xD0000000, s2;
	s6 =	simm.s32 $0x108;
	_ =	swait.ge @!p0 [sflag:s8], $0x0  }
0x24: {  	s3 =	sadd.s32 $0x88, s3;
	s6 =	simm.s32 @!p1 $0x1082;
	[sflag:s4] =	ssyncset.s32 $0xFFFFF086  }
0x25: {  	[simem:s6], [sflag:s4] =	dma.local [hbm:s3], $0xF7A  }
0x26: {  	[smem:$0x3F9F] =	sst s1;
	(tag) =	ssettag s2;
	_ =	strace s9  }
0x27: {  	s1 =	sld [smem:$0x3FAF]  }
0x28: {  	s2 =	sld [smem:$0x3FB0]  }
0x29: {  	s4 =	sld [smem:$0x3FB2]  }
0x2a: {  	p0 =	seq.s32 s5, $0x0;
	s5 =	sld [smem:$0x3FB3]  }
0x2b: {  	s6 =	sld [smem:$0x3FB4]  }
0x2c: {  	s7 =	sld [smem:$0x3FB5]  }
0x2d: {  	s3 =	simm.s32 $0x108;
	s8 =	sld [smem:$0x3FB6]  }
0x2e: {  	s3 =	simm.s32 @!p0 $0x1082;
	s9 =	sld [smem:$0x3FB7]  }
0x2f: {  	lr =	sadd.s32 s0, s3;
	s0 =	sld [smem:$0x3FAE]  }
0x30: {  	s3 =	sld [smem:$0x3FB1]  }
0x31: {  	[smem:$0x3FBA] =	sst s10  }
0x32: {  	s10 =	sld [smem:$0x3FB8];
	_ =	sdelay $0x3  }
0x33: {  	p0 =	seq.s32 s10, $0x1;
	s10 =	sld [smem:$0x3FBA];
	_ =	sdelay $0x3  }
0x34: {  	[smem:$0x3FBA] =	sst s10  }
0x35: {  	s10 =	sld [smem:$0x3FB9];
	_ =	sdelay $0x3  }
0x36: {  	p1 =	seq.s32 s10, $0x1;
	s10 =	sld [smem:$0x3FBA];
	_ =	sdelay $0x3  }
0x37: {  	[smem:$0x3FBA] =	sst s10  }
0x38: {  	s10 =	sld [smem:$0x3FBB]  }
0x39: {  	_ = 	snop;
	(pc) =	sbr.ind lr, $3  }
0x3a: {  	_ = 	snop  }
0x3b: {  	_ = 	snop  }
0x3c: {  	p2 =	seq.s32 s10, $0x1;
	s10 =	sld [smem:$0x3FBA]  }
0x3d: {  	_ =	shalt  }
0x3e: {  	_ =	shalt  }
0x3f: {  	_ =	shalt  }
0x40: {  	_ =	shalt  }
0x41: {  	_ =	shalt  }
0x42: {  	_ =	shalt  }
0x43: {  	_ =	shalt  }
0x44: {  	_ =	shalt  }
0x45: {  	_ =	shalt  }
0x46: {  	_ =	shalt  }
0x47: {  	_ =	shalt  }
0x48: {  	_ =	shalt  }
0x49: {  	_ =	shalt  }
0x4a: {  	_ =	shalt  }
0x4b: {  	_ =	shalt  }
0x4c: {  	_ =	shalt  }
0x4d: {  	_ =	shalt  }
0x4e: {  	_ =	shalt  }
0x4f: {  	_ =	shalt  }
0x50: {  	_ =	shalt  }
0x51: {  	_ =	shalt  }
0x52: {  	_ =	shalt  }
0x53: {  	_ =	shalt  }
0x54: {  	_ =	shalt  }
0x55: {  	_ =	shalt  }
0x56: {  	_ =	shalt  }
0x57: {  	_ =	shalt  }
0x58: {  	_ =	shalt  }
0x59: {  	_ =	shalt  }
0x5a: {  	_ =	shalt  }
0x5b: {  	_ =	shalt  }
0x5c: {  	_ =	shalt  }
0x5d: {  	_ =	shalt  }
0x5e: {  	_ =	shalt  }
0x5f: {  	_ =	shalt  }
0x60: {  	_ =	shalt  }
0x61: {  	_ =	shalt  }
0x62: {  	_ =	shalt  }
0x63: {  	_ =	shalt  }
0x64: {  	_ =	shalt  }
0x65: {  	_ =	shalt  }
0x66: {  	_ =	shalt  }
0x67: {  	_ =	shalt  }
0x68: {  	_ =	shalt  }
0x69: {  	_ =	shalt  }
0x6a: {  	_ =	shalt  }
0x6b: {  	_ =	shalt  }
0x6c: {  	_ =	shalt  }
0x6d: {  	_ =	shalt  }
0x6e: {  	_ =	shalt  }
0x6f: {  	_ =	shalt  }
0x70: {  	_ =	shalt  }
0x71: {  	_ =	shalt  }
0x72: {  	_ =	shalt  }
0x73: {  	_ =	shalt  }
0x74: {  	_ =	shalt  }
0x75: {  	_ =	shalt  }
0x76: {  	_ =	shalt  }
0x77: {  	_ =	shalt  }
0x78: {  	_ =	shalt  }
0x79: {  	_ =	shalt  }
0x7a: {  	_ =	shalt  }
0x7b: {  	_ =	shalt  }
0x7c: {  	_ =	shalt  }
0x7d: {  	_ =	shalt  }
0x7e: {  	_ =	shalt  }
0x7f: {  	_ =	shalt  }
0x80: {  	_ =	shalt  }
0x81: {  	_ =	shalt  }
0x82: {  	_ =	shalt  }
0x83: {  	_ =	shalt  }
0x84: {  	_ =	shalt  }
0x85: {  	_ =	shalt  }
0x86: {  	_ =	shalt  }
0x87: {  	_ =	shalt  }
.Lfunc_end0:
.L_simem_size_0:
called_computation.1_lowered:
.L_overlay_start_0:
0x88: {  	s2 =	sld [smem:$0x3FD9]  }
0x89: {  	s3 =	sld [smem:$0x3FFE];
	_ =	sdelay $0x1  }
0x8a: {  	s1 =	srdreg.scid  }
0x8b: {  	s0 =	sand.u32 $0x1, s1  }
0x8c: {  	s16 =	sshll.u32 s0, $0xA;
	s2 =	sadd.s32 s3, s2  }
0x8d: {  	s2 =	sadd.s32 s2, s16  }
0x8e: {  	[smem:$0x3FC6] =	sst s2  }
0x8f: {  	_ = 	snop  }
0x90: {  	(tm) =	ssettm $0x1  }
0x91: {  	s17 =	sld [smem:$0x3FFB];
	_ =	sdelay $0x3  }
0x92: {  	_ =	strace s17  }
0x93: {  	s2 =	sld [smem:$0x3FFC];
	_ =	sdelay $0x3  }
0x94: {  	_ =	strace s2  }
0x95: {  	s2 =	sld [smem:$0x3FFD];
	_ =	sdelay $0x3  }
0x96: {  	_ =	strace s2  }
0x97: {  	_ =	strace $0x8FFFFFFF  }
0x98: {  	s18 =	sld [smem:$0x3FDB];
	_ =	sdelay $0x1  }
0x99: {  	s19 =	simm.s32 $_scs_section_size  }
0x9a: {  	s4 =	simm.s32 $_size__tile_overlayer_lowered;
	s5 =	simm.s32 $_tile_overlayer_lowered  }
0x9b: {  	s22 =	simm.s32 $0x1BFF;
	s21 =	sshll.u32 s5, $0x1;
	s2 =	sadd.s32 s19, s18  }
0x9c: {  	s6 =	simm.s32 $0x0;
	s20 =	sshll.u32 s4, $0x1;
	s4 =	sadd.s32 s21, s2  }
0x9d: {  	[timem:s6], [sflag:s22] =	dma.local [hbm:s4], s20  }
0x9e: {  	_ =	swait.ge [sflag:s22], s20  }
0x9f: {  	s3 =	ssub.s32 $0x0, s20;
	[sflag:s22] =	ssyncset.done $0x0  }
0xa0: {  	[sflag:s22] =	ssyncadd.s32 s3;
	_ =	sdelay $0x1  }
0xa1: {  	s23 =	simm.s32 $0x1B8B  }
0xa2: {  	_ =	swait.ge [sflag:s23], $0x1  }
0xa3: {  	[sflag:s23] =	ssyncset.done $0x0  }
0xa4: {  	s25 =	simm.s32 $0x1B8E;
	s24 =	sld [smem:$0x3FFE];
	[sflag:s23] =	ssyncadd.s32 $0xFFFFFFFF  }
0xa5: {  	s26 =	simm.s32 $execute0_lowered;
	[smem:$0x3FD2] =	sst s25  }
0xa6: {  	s4 =	sshll.u32 s26, $0x1;
	_ =	strace $0x80000046;
	[dreg:$0x1] =	wrdreg $0xFFFFFFFF  }
0xa7: {  	s28 =	simm.s32 $_size_execute0_lowered;
	s2 =	sadd.s32 s2, s4;
	[dreg:$0x0] =	wrdreg $0x0  }
0xa8: {  	s4 =	sshll.u32 s28, $0x1;
	[dreg:$0x2] =	wrdreg s2  }
0xa9: {  	[dreg:$0x3] =	wrdreg s4  }
0xaa: {  	[dreg:$0x4] =	wrdreg $0xC0  }
0xab: {  	_ =	task [dreg:s6], $0x5FFFF  }
0xac: {  	[dreg:$0x1] =	wrdreg $0xFFFFFFFF  }
0xad: {  	[dreg:$0x0] =	wrdreg $0x60  }
0xae: {  	[dreg:$0x2] =	wrdreg s24  }
0xaf: {  	[dreg:$0x3] =	wrdreg $0x9  }
0xb0: {  	_ =	task.clear_ibuf [dreg:s6], $0x4FFFF;
	_ =	strace $0x90000046  }
0xb1: {  	s29 =	simm.s32 $0x9;
	_ =	strace $0x80000048  }
0xb2: {  	_ =	swait.ge [sflag:s29], $0x1  }
0xb3: {  	[sflag:s29] =	ssyncadd.s32 $0xFFFFFFFF  }
0xb4: {  	_ =	strace $0x90000048  }
0xb5: {  	_ =	sfence  }
0xb6: {  	s30 =	sld [smem:$0x0];
	_ =	sdelay $0x2  }
0xb7: {  	s31 =	sshll.u32 s1, $0xD;
	s1 =	sshrl.u32 s1, $0x2  }
0xb8: {  	s3 =	sand.u32 $0x4000, s31;
	s1 =	sadd.s32 s1, s30  }
0xb9: {  	s0 =	sor.u32 s3, s0;
	s1 =	sshll.u32 s1, $0x11  }
0xba: {  	s0 =	sor.u32 s1, s0  }
0xbb: {  	s0 =	sadd.s32 $0x8F2B, s0  }
0xbc: {  	[sflag:s0] =	ssyncadd.remote.s32 $0x1  }
0xbd: {  	_ =	sfence.sel $0xFFFF  }
0xbe: {  	[dreg:$0x0] =	wrdreg $0xFFFFFFFF;
	(pc) =	sbr.abs _section_cstart, $3  }
0xbf: {  	[dreg:$0x1] =	wrdreg $0xFFFFFFFF  }
0xc0: {  	_ =	task.clear_ibuf [dreg:s6], $0x2FFFF;
	_ =	strace $0x9FFFFFFF  }
0xc1: {  	(tm) =	ssettm $0x7FFFFFFF  }
tec
execute0_lowered:
.L_overlay_start_1:
0x0: {  	(tag) =	ssettag $0x1  }
0x1: {  	s0 =	srdreg.scid;
	s9 =	stileid.u32  }
0x2: {  	s4 =	rddreg [dreg:$0x0];
	s2 =	simm.s32 $0x0;
	s29 =	simm.s32 $0x12400  }
0x3: {  	s30 =	simm.s32 $0x1;
	s0 =	sand.u32 $0x1, s0;
	s1 =	sshll.u32 s9, $0x1  }
0x4: {  	s31 =	simm.s32 $0x3;
	s28 =	simm.s32 $0x7;
	s1 =	sor.u32 s0, s1  }
0x5: {  	s10 =	simm.s32 $0x0;
	s6 =	ssub.s32 $0x2, s0;
	s5 =	smul.u32 $0x6400, s1  }
0x6: {  	[smem:$0x7FF] =	sst s2;
	s3 =	sadd.s32 $0x19800, s4;
	s8 =	sshrl.u32 s6, $0x1  }
0x7: {  	_ =	strace $0x80000047;
	s6 =	ssub.s32 s6, s8;
	s5 =	sshrl.u32 s5, $0x3  }
0x8: {  	s7 =	smul.u32 $0x64000, s1;
	s24 =	smax.u32 s6, $0x1;
	s5 =	sadd.s32 s5, s4  }
0x9: {  	s4 =	sadd.s32 $0x1A0400, s4;
	[dreg:$0xd] =	wrdreg s24;
	s5 =	sadd.s32 $0x800, s5  }
0xa: {  	s15 =	smul.u32 $0xC800, s9;
	s14 =	sadd.s32 s4, s7;
	[dreg:$0x3] =	wrdreg s5  }
0xb: {  	s1 =	smul.u32 $0x320000, s1;
	s16 =	sadd.s32 $0x800, s14;
	[dreg:$0x2] =	wrdreg s14  }
0xc: {  	s0 =	smul.u32 $0x6400, s0;
	s17 =	sadd.s32 $0x1000, s14;
	[dreg:$0x4] =	wrdreg s16  }
0xd: {  	s1 =	sshrl.u32 s1, $0x3;
	s18 =	sadd.s32 $0x1800, s14;
	[dreg:$0x5] =	wrdreg s17  }
0xe: {  	s1 =	sadd.s32 s4, s1;
	s19 =	sadd.s32 $0x2000, s14;
	[dreg:$0x6] =	wrdreg s18  }
0xf: {  	s9 =	simm.s32 $0xA;
	s20 =	sadd.s32 $0x61800, s1;
	[dreg:$0x7] =	wrdreg s19  }
0x10: {  	s0 =	sadd.s32 s0, s15;
	s21 =	sadd.s32 $0x62000, s1;
	[dreg:$0x8] =	wrdreg s20  }
0x11: {  	s8 =	simm.s32 $0x9;
	s22 =	sadd.s32 $0x62800, s1;
	[dreg:$0x9] =	wrdreg s21  }
0x12: {  	s0 =	sshll.u32 s0, $0x4;
	s23 =	sadd.s32 $0x63000, s1;
	[dreg:$0xa] =	wrdreg s22  }
0x13: {  	s0 =	sadd.s32 s4, s0;
	s1 =	sadd.s32 $0x63800, s1;
	[dreg:$0xb] =	wrdreg s23  }
0x14: {  	s6 =	simm.s32 $0x8;
	s25 =	sadd.s32 $0x3800, s0;
	[dreg:$0xc] =	wrdreg s1  }
0x15: {  	s24 =	simm.s32 $0xA400;
	s26 =	sadd.s32 $0x3000, s0;
	[dreg:$0xe] =	wrdreg s25  }
0x16: {  	s7 =	simm.s32 $0x5;
	s5 =	simm.s32 $0x4;
	[dreg:$0xf] =	wrdreg s26  }
0x17: {  	s21 =	sadd.s32 $0x4800, s0;
	s19 =	sadd.s32 $0x2800, s0;
	s20 =	sadd.s32 $0x4000, s0  }
0x18: {  	s22 =	simm.s32 $0x80;
	s23 =	simm.s32 $0x6400;
	s26 =	simm.s32 $0xE400  }
0x19: {  	s1 =	simm.s32 $0x16400;
	s0 =	simm.s32 $0x2;
	s25 =	simm.s32 $0x6  }
.LBB2_1:
0x1a: {  	s4 =	rddreg [dreg:$0x3];
	s17 =	simm.s32 $0xB  }
0x1b: {  	[tilespmem:s2], [sflag:$0xB] =	stream.linear.gather [hbm4b:s4+s2], $0x6400, $0x38;
	[tilespmem:$0x1A400] =	vst v63  }
0x1c: {  	_ =	swait.ge [sflag:s17], $0x6400  }
0x1d: {  	[sflag:s17] =	ssyncset.done $0x0  }
0x1e: {  	[sflag:s17] =	ssyncadd.s32 $0xFFFF9C00  }
0x1f: {  	[tilespmem:s23], [sflag:$0x1] =	stream.indirect.gather [hbm4b:s3+s22], $0x80, s2, s22, $0xb8;
	[tilespmem:$0x1A400] =	vst v63  }
0x20: {  	_ = 	snop  }
0x21: {  	[tilespmem:s24], [sflag:$0x2] =	stream.indirect.gather [hbm4b:s3+s22], $0x80, s22, s22, $0xb8;
	[tilespmem:$0x1A400] =	vst v63  }
0x22: {  	s18 =	simm.s32 $0x100  }
0x23: {  	[tilespmem:s26], [sflag:$0x3] =	stream.indirect.gather [hbm4b:s3+s22], $0x80, s18, s22, $0xb8;
	[tilespmem:$0x1A400] =	vst v63  }
0x24: {  	s11 =	simm.s32 $0x180  }
0x25: {  	[tilespmem:s29], [sflag:$0x4] =	stream.indirect.gather [hbm4b:s3+s22], $0x80, s11, s22, $0xb8;
	[tilespmem:$0x1A400] =	vst v63  }
0x26: {  	_ =	swait.ge [sflag:s30], $0x4000  }
0x27: {  	[sflag:s30] =	ssyncset.done $0x0  }
0x28: {  	s12 =	rddreg [dreg:$0x2];
	[sflag:s30] =	ssyncadd.s32 $0xFFFFC000  }
0x29: {  	[hbm4b:s12+s2] =	stream.linear.scatter [tilespmem:s23], [sflag:$0x6], $0x4000, $0x38;
	[tilespmem:$0x1A400] =	vst v63  }
0x2a: {  	s13 =	simm.s32 $0x200  }
0x2b: {  	[tilespmem:s1], [sflag:$0x5] =	stream.indirect.gather [hbm4b:s3+s22], $0x80, s13, s22, $0xb8;
	[tilespmem:$0x1A400] =	vst v63  }
0x2c: {  	_ =	swait.ge [sflag:s0], $0x4000  }
0x2d: {  	[sflag:s0] =	ssyncset.done $0x0  }
0x2e: {  	s14 =	rddreg [dreg:$0x4];
	[sflag:s0] =	ssyncadd.s32 $0xFFFFC000  }
0x2f: {  	[hbm4b:s14+s2] =	stream.linear.scatter [tilespmem:s24], [sflag:$0x7], $0x4000, $0x38;
	[tilespmem:$0x1A400] =	vst v63  }
0x30: {  	_ =	swait.ge [sflag:s25], $0x4000  }
0x31: {  	[sflag:s25] =	ssyncset.done $0x0  }
0x32: {  	s15 =	simm.s32 $0x280;
	[sflag:s25] =	ssyncadd.s32 $0xFFFFC000  }
0x33: {  	[tilespmem:s23], [sflag:$0x1] =	stream.indirect.gather [hbm4b:s3+s22], $0x80, s15, s22, $0xb8;
	[tilespmem:$0x1A400] =	vst v63  }
0x34: {  	_ =	swait.ge [sflag:s31], $0x4000  }
0x35: {  	[sflag:s31] =	ssyncset.done $0x0  }
0x36: {  	s16 =	rddreg [dreg:$0x5];
	[sflag:s31] =	ssyncadd.s32 $0xFFFFC000  }
0x37: {  	[hbm4b:s16+s2] =	stream.linear.scatter [tilespmem:s26], [sflag:$0x8], $0x4000, $0x38;
	[tilespmem:$0x1A400] =	vst v63  }
0x38: {  	_ =	swait.ge [sflag:s28], $0x4000  }
0x39: {  	[sflag:s28] =	ssyncset.done $0x0  }
0x3a: {  	s17 =	simm.s32 $0x300;
	[sflag:s28] =	ssyncadd.s32 $0xFFFFC000  }
0x3b: {  	[tilespmem:s24], [sflag:$0x2] =	stream.indirect.gather [hbm4b:s3+s22], $0x80, s17, s22, $0xb8;
	[tilespmem:$0x1A400] =	vst v63  }
0x3c: {  	_ =	swait.ge [sflag:s5], $0x4000  }
0x3d: {  	[sflag:s5] =	ssyncset.done $0x0  }
0x3e: {  	s18 =	rddreg [dreg:$0x6];
	[sflag:s5] =	ssyncadd.s32 $0xFFFFC000  }
0x3f: {  	[hbm4b:s18+s2] =	stream.linear.scatter [tilespmem:s29], [sflag:$0x9], $0x4000, $0x38;
	[tilespmem:$0x1A400] =	vst v63  }
0x40: {  	_ =	swait.ge [sflag:s6], $0x4000  }
0x41: {  	[sflag:s6] =	ssyncset.done $0x0  }
0x42: {  	s11 =	simm.s32 $0x380;
	[sflag:s6] =	ssyncadd.s32 $0xFFFFC000  }
0x43: {  	[tilespmem:s26], [sflag:$0x3] =	stream.indirect.gather [hbm4b:s3+s22], $0x80, s11, s22, $0xb8;
	[tilespmem:$0x1A400] =	vst v63  }
0x44: {  	_ =	swait.ge [sflag:s7], $0x4000  }
0x45: {  	[sflag:s7] =	ssyncset.done $0x0  }
0x46: {  	s12 =	rddreg [dreg:$0x7];
	[sflag:s7] =	ssyncadd.s32 $0xFFFFC000  }
0x47: {  	[hbm4b:s12+s2] =	stream.linear.scatter [tilespmem:s1], [sflag:$0xA], $0x4000, $0x38;
	[tilespmem:$0x1A400] =	vst v63  }
0x48: {  	_ =	swait.ge [sflag:s8], $0x4000  }
0x49: {  	[sflag:s8] =	ssyncset.done $0x0  }
0x4a: {  	s13 =	simm.s32 $0x400;
	[sflag:s8] =	ssyncadd.s32 $0xFFFFC000  }
0x4b: {  	[tilespmem:s29], [sflag:$0x4] =	stream.indirect.gather [hbm4b:s3+s22], $0x80, s13, s22, $0xb8;
	[tilespmem:$0x1A400] =	vst v63  }
0x4c: {  	_ =	swait.ge [sflag:s30], $0x4000  }
0x4d: {  	[sflag:s30] =	ssyncset.done $0x0  }
0x4e: {  	[sflag:s30] =	ssyncadd.s32 $0xFFFFC000  }
0x4f: {  	[hbm4b:s19+s2] =	stream.linear.scatter [tilespmem:s23], [sflag:$0x6], $0x4000, $0x38;
	[tilespmem:$0x1A400] =	vst v63  }
0x50: {  	_ =	swait.ge [sflag:s9], $0x4000  }
0x51: {  	[sflag:s9] =	ssyncset.done $0x0  }
0x52: {  	s14 =	simm.s32 $0x480;
	[sflag:s9] =	ssyncadd.s32 $0xFFFFC000  }
0x53: {  	[tilespmem:s1], [sflag:$0x5] =	stream.indirect.gather [hbm4b:s3+s22], $0x80, s14, s22, $0xb8;
	[tilespmem:$0x1A400] =	vst v63  }
0x54: {  	_ =	swait.ge [sflag:s0], $0x4000  }
0x55: {  	[sflag:s0] =	ssyncset.done $0x0  }
0x56: {  	s16 =	rddreg [dreg:$0xf];
	[sflag:s0] =	ssyncadd.s32 $0xFFFFC000  }
0x57: {  	[hbm4b:s16+s2] =	stream.linear.scatter [tilespmem:s24], [sflag:$0x7], $0x4000, $0x38;
	[tilespmem:$0x1A400] =	vst v63  }
0x58: {  	_ =	swait.ge [sflag:s25], $0x4000  }
0x59: {  	[sflag:s25] =	ssyncset.done $0x0  }
0x5a: {  	s15 =	simm.s32 $0x500;
	[sflag:s25] =	ssyncadd.s32 $0xFFFFC000  }
0x5b: {  	[tilespmem:s23], [sflag:$0x1] =	stream.indirect.gather [hbm4b:s3+s22], $0x80, s15, s22, $0xb8;
	[tilespmem:$0x1A400] =	vst v63  }
0x5c: {  	_ =	swait.ge [sflag:s31], $0x4000  }
0x5d: {  	[sflag:s31] =	ssyncset.done $0x0  }
0x5e: {  	s15 =	rddreg [dreg:$0xe];
	[sflag:s31] =	ssyncadd.s32 $0xFFFFC000  }
0x5f: {  	[hbm4b:s15+s2] =	stream.linear.scatter [tilespmem:s26], [sflag:$0x8], $0x4000, $0x38;
	[tilespmem:$0x1A400] =	vst v63  }
0x60: {  	_ =	swait.ge [sflag:s28], $0x4000  }
0x61: {  	[sflag:s28] =	ssyncset.done $0x0  }
0x62: {  	s17 =	simm.s32 $0x580;
	[sflag:s28] =	ssyncadd.s32 $0xFFFFC000  }
0x63: {  	[tilespmem:s24], [sflag:$0x2] =	stream.indirect.gather [hbm4b:s3+s22], $0x80, s17, s22, $0xb8;
	[tilespmem:$0x1A400] =	vst v63  }
0x64: {  	_ =	swait.ge [sflag:s5], $0x4000  }
0x65: {  	[sflag:s5] =	ssyncset.done $0x0  }
0x66: {  	[sflag:s5] =	ssyncadd.s32 $0xFFFFC000  }
0x67: {  	[hbm4b:s20+s2] =	stream.linear.scatter [tilespmem:s29], [sflag:$0x9], $0x4000, $0x38;
	[tilespmem:$0x1A400] =	vst v63  }
0x68: {  	_ =	swait.ge [sflag:s6], $0x4000  }
0x69: {  	[sflag:s6] =	ssyncset.done $0x0  }
0x6a: {  	s18 =	simm.s32 $0x600;
	s11 =	simm.s32 $0xA00;
	[sflag:s6] =	ssyncadd.s32 $0xFFFFC000  }
0x6b: {  	[tilespmem:s26], [sflag:$0x3] =	stream.indirect.gather [hbm4b:s3+s22], $0x80, s18, s22, $0xb8;
	[tilespmem:$0x1A400] =	vst v63  }
0x6c: {  	s12 =	sadd.s32 $0x2800, s20;
	s13 =	sadd.s32 $0x2800, s21;
	_ =	swait.ge [sflag:s7], $0x4000  }
0x6d: {  	s14 =	sadd.s32 $0x2800, s19;
	s4 =	sadd.s32 $0x2800, s16;
	[sflag:s7] =	ssyncset.done $0x0  }
0x6e: {  	s15 =	sadd.s32 $0x2800, s15;
	s18 =	smov.u32 s21;
	[sflag:s7] =	ssyncadd.s32 $0xFFFFC000  }
.LBB2_2:
0x6f: {  	[hbm4b:s18+s2] =	stream.linear.scatter [tilespmem:s1], [sflag:$0xA], $0x4000, $0x38;
	[tilespmem:$0x1A400] =	vst v63  }
0x70: {  	s16 =	smov.u32 s11;
	s18 =	smov.u32 s13  }
0x71: {  	p0 =	sne.s32 s11, $0x17200;
	s11 =	sadd.s32 $0xA00, s11;
	_ =	swait.ge [sflag:s8], $0x4000  }
0x72: {  	s16 =	sshra.s32 s16, $0x2;
	[sflag:s8] =	ssyncset.done $0x0  }
0x73: {  	s17 =	sadd.s32 $0x400, s16;
	[sflag:s8] =	ssyncadd.s32 $0xFFFFC000  }
0x74: {  	[tilespmem:s29], [sflag:$0x4] =	stream.indirect.gather [hbm4b:s3+s22], $0x80, s17, s22, $0xb8;
	[tilespmem:$0x1A400] =	vst v63  }
0x75: {  	_ =	swait.ge [sflag:s30], $0x4000  }
0x76: {  	[sflag:s30] =	ssyncset.done $0x0  }
0x77: {  	[sflag:s30] =	ssyncadd.s32 $0xFFFFC000  }
0x78: {  	[hbm4b:s14+s2] =	stream.linear.scatter [tilespmem:s23], [sflag:$0x6], $0x4000, $0x38;
	[tilespmem:$0x1A400] =	vst v63  }
0x79: {  	_ =	swait.ge [sflag:s9], $0x4000  }
0x7a: {  	[sflag:s9] =	ssyncset.done $0x0  }
0x7b: {  	s17 =	sadd.s32 $0x480, s16;
	[sflag:s9] =	ssyncadd.s32 $0xFFFFC000  }
0x7c: {  	[tilespmem:s1], [sflag:$0x5] =	stream.indirect.gather [hbm4b:s3+s22], $0x80, s17, s22, $0xb8;
	[tilespmem:$0x1A400] =	vst v63  }
0x7d: {  	_ =	swait.ge [sflag:s0], $0x4000  }
0x7e: {  	[sflag:s0] =	ssyncset.done $0x0  }
0x7f: {  	[sflag:s0] =	ssyncadd.s32 $0xFFFFC000  }
0x80: {  	[hbm4b:s4+s2] =	stream.linear.scatter [tilespmem:s24], [sflag:$0x7], $0x4000, $0x38;
	[tilespmem:$0x1A400] =	vst v63  }
0x81: {  	_ =	swait.ge [sflag:s25], $0x4000  }
0x82: {  	[sflag:s25] =	ssyncset.done $0x0  }
0x83: {  	s17 =	sadd.s32 $0x500, s16;
	[sflag:s25] =	ssyncadd.s32 $0xFFFFC000  }
0x84: {  	[tilespmem:s23], [sflag:$0x1] =	stream.indirect.gather [hbm4b:s3+s22], $0x80, s17, s22, $0xb8;
	[tilespmem:$0x1A400] =	vst v63  }
0x85: {  	_ =	swait.ge [sflag:s31], $0x4000  }
0x86: {  	[sflag:s31] =	ssyncset.done $0x0  }
0x87: {  	[sflag:s31] =	ssyncadd.s32 $0xFFFFC000  }
0x88: {  	[hbm4b:s15+s2] =	stream.linear.scatter [tilespmem:s26], [sflag:$0x8], $0x4000, $0x38;
	[tilespmem:$0x1A400] =	vst v63  }
0x89: {  	_ =	swait.ge [sflag:s28], $0x4000  }
0x8a: {  	[sflag:s28] =	ssyncset.done $0x0  }
0x8b: {  	s17 =	sadd.s32 $0x580, s16;
	[sflag:s28] =	ssyncadd.s32 $0xFFFFC000  }
0x8c: {  	[tilespmem:s24], [sflag:$0x2] =	stream.indirect.gather [hbm4b:s3+s22], $0x80, s17, s22, $0xb8;
	[tilespmem:$0x1A400] =	vst v63  }
0x8d: {  	_ =	swait.ge [sflag:s5], $0x4000  }
0x8e: {  	[sflag:s5] =	ssyncset.done $0x0  }
0x8f: {  	[sflag:s5] =	ssyncadd.s32 $0xFFFFC000  }
0x90: {  	[hbm4b:s12+s2] =	stream.linear.scatter [tilespmem:s29], [sflag:$0x9], $0x4000, $0x38;
	[tilespmem:$0x1A400] =	vst v63  }
0x91: {  	_ =	swait.ge [sflag:s6], $0x4000  }
0x92: {  	[sflag:s6] =	ssyncset.done $0x0  }
.Ltmp0:
0x93: {  	s16 =	sadd.s32 $0x600, s16;
	[sflag:s6] =	ssyncadd.s32 $0xFFFFC000;
	(pc) =	sbr.rel @p0 .LBB2_2-.Ltmp0, $4  }
0x94: {  	[tilespmem:s26], [sflag:$0x3] =	stream.indirect.gather [hbm4b:s3+s22], $0x80, s16, s22, $0xb8;
	[tilespmem:$0x1A400] =	vst v63  }
0x95: {  	s12 =	sadd.s32 $0x2800, s12;
	_ =	swait.ge [sflag:s7], $0x4000  }
0x96: {  	s13 =	sadd.s32 $0x2800, s13;
	s14 =	sadd.s32 $0x2800, s14;
	[sflag:s7] =	ssyncset.done $0x0  }
0x97: {  	s4 =	sadd.s32 $0x2800, s4;
	s15 =	sadd.s32 $0x2800, s15;
	[sflag:s7] =	ssyncadd.s32 $0xFFFFC000  }
0x98: {  	[hbm4b:s18+s2] =	stream.linear.scatter [tilespmem:s1], [sflag:$0xA], $0x4000, $0x38;
	[tilespmem:$0x1A400] =	vst v63  }
0x99: {  	_ =	swait.ge [sflag:s8], $0x4000  }
0x9a: {  	[sflag:s8] =	ssyncset.done $0x0  }
0x9b: {  	s4 =	simm.s32 $0x6300;
	[sflag:s8] =	ssyncadd.s32 $0xFFFFC000  }
0x9c: {  	[tilespmem:s29], [sflag:$0x4] =	stream.indirect.gather [hbm4b:s3+s22], $0x80, s4, s22, $0xb8;
	[tilespmem:$0x1A400] =	vst v63  }
0x9d: {  	_ =	swait.ge [sflag:s30], $0x4000  }
0x9e: {  	[sflag:s30] =	ssyncset.done $0x0  }
0x9f: {  	s12 =	rddreg [dreg:$0x8];
	[sflag:s30] =	ssyncadd.s32 $0xFFFFC000  }
0xa0: {  	[hbm4b:s12+s2] =	stream.linear.scatter [tilespmem:s23], [sflag:$0x6], $0x4000, $0x38;
	[tilespmem:$0x1A400] =	vst v63  }
0xa1: {  	_ =	swait.ge [sflag:s9], $0x4000  }
0xa2: {  	[sflag:s9] =	ssyncset.done $0x0  }
0xa3: {  	s13 =	simm.s32 $0x6380;
	[sflag:s9] =	ssyncadd.s32 $0xFFFFC000  }
0xa4: {  	[tilespmem:s1], [sflag:$0x5] =	stream.indirect.gather [hbm4b:s3+s22], $0x80, s13, s22, $0xb8;
	[tilespmem:$0x1A400] =	vst v63  }
0xa5: {  	_ =	swait.ge [sflag:s0], $0x4000  }
0xa6: {  	[sflag:s0] =	ssyncset.done $0x0  }
0xa7: {  	s14 =	rddreg [dreg:$0x9];
	[sflag:s0] =	ssyncadd.s32 $0xFFFFC000  }
0xa8: {  	[hbm4b:s14+s2] =	stream.linear.scatter [tilespmem:s24], [sflag:$0x7], $0x4000, $0x38;
	[tilespmem:$0x1A400] =	vst v63  }
0xa9: {  	_ =	swait.ge [sflag:s25], $0x4000  }
0xaa: {  	[sflag:s25] =	ssyncset.done $0x0  }
0xab: {  	[sflag:s25] =	ssyncadd.s32 $0xFFFFC000  }
0xac: {  	_ =	swait.ge [sflag:s31], $0x4000  }
0xad: {  	[sflag:s31] =	ssyncset.done $0x0  }
0xae: {  	s15 =	rddreg [dreg:$0xa];
	[sflag:s31] =	ssyncadd.s32 $0xFFFFC000  }
0xaf: {  	[hbm4b:s15+s2] =	stream.linear.scatter [tilespmem:s26], [sflag:$0x8], $0x4000, $0x38;
	[tilespmem:$0x1A400] =	vst v63  }
0xb0: {  	_ =	swait.ge [sflag:s28], $0x4000  }
0xb1: {  	[sflag:s28] =	ssyncset.done $0x0  }
0xb2: {  	[sflag:s28] =	ssyncadd.s32 $0xFFFFC000  }
0xb3: {  	_ =	swait.ge [sflag:s5], $0x4000  }
0xb4: {  	[sflag:s5] =	ssyncset.done $0x0  }
0xb5: {  	s16 =	rddreg [dreg:$0xb];
	[sflag:s5] =	ssyncadd.s32 $0xFFFFC000  }
0xb6: {  	[hbm4b:s16+s2] =	stream.linear.scatter [tilespmem:s29], [sflag:$0x9], $0x4000, $0x38;
	[tilespmem:$0x1A400] =	vst v63  }
0xb7: {  	_ =	swait.ge [sflag:s6], $0x4000  }
0xb8: {  	[sflag:s6] =	ssyncset.done $0x0  }
0xb9: {  	[sflag:s6] =	ssyncadd.s32 $0xFFFFC000  }
0xba: {  	_ =	swait.ge [sflag:s7], $0x4000  }
0xbb: {  	[sflag:s7] =	ssyncset.done $0x0  }
0xbc: {  	s17 =	rddreg [dreg:$0xc];
	[sflag:s7] =	ssyncadd.s32 $0xFFFFC000  }
0xbd: {  	[hbm4b:s17+s2] =	stream.linear.scatter [tilespmem:s1], [sflag:$0xA], $0x4000, $0x38;
	[tilespmem:$0x1A400] =	vst v63  }
0xbe: {  	_ =	swait.ge [sflag:s8], $0x4000  }
0xbf: {  	[sflag:s8] =	ssyncset.done $0x0  }
0xc0: {  	[sflag:s8] =	ssyncadd.s32 $0xFFFFC000  }
0xc1: {  	_ =	swait.ge [sflag:s9], $0x4000  }
0xc2: {  	s10 =	sadd.s32 $0x1, s10;
	s18 =	rddreg [dreg:$0xd]  }
0xc3: {  	p0 =	sne.s32 s10, s18  }
.Ltmp1:
0xc4: {  	_ = 	snop;
	(pc) =	sbr.rel @p0 .LBB2_1-.Ltmp1, $3  }
0xc5: {  	_ =	sdelay $0x1  }
0xc6: {  	[sflag:s9] =	ssyncset.done $0x0  }
0xc7: {  	[sflag:s9] =	ssyncadd.s32 $0xFFFFC000  }
0xc8: {  	_ =	sfence.sel $0x180000  }
0xc9: {  	[bflag:$0x0] =	sbarrier.arrive $0xFFFF  }
0xca: {  	_ =	strace $0x90000047  }
0xcb: {  	s0 =	stileid.u32;
	[bflag:$0x2] =	sbarrier.arrive $0xFFFF  }
0xcc: {  	p0 =	sne.s32 s0, $0x0;
	s0 =	rddreg [dreg:$0x1]  }
0xcd: {  	s0 =	sadd.s32 @!p0 $0x100000, s0  }
0xce: {  	[sflag:s0] =	ssyncadd.tile.s32 @!p0 $0x1;
	_ =	shalt  }
.Lfunc_end2:
_tile_overlayer_lowered:
.L_overlay_start_2:
0xcf: {  	(tag) =	ssettag $0x2  }
0xd0: {  	s0 =	rddreg [dreg:$0x0];
	s2 =	stileid.u32  }
0xd1: {  	s1 =	rddreg [dreg:$0x1];
	p0 =	sne.s32 s2, $0x0  }
0xd2: {  	s3 =	rddreg [dreg:$0x2];
	[bflag:$0x3] =	sbarrier.arrive $0xFFFF;
	s2 =	simm.s32 @!p0 $0x1C0B  }
0xd3: {  	[timem:s3], [sflag:s2] =	dma.local @!p0 [hbm:s0], s1  }
0xd4: {  	s0 =	simm.s32 @!p0 $0xB  }
0xd5: {  	_ =	swait.ge @!p0 [sflag:s0], s1  }
0xd6: {  	s1 =	ssub.s32 @!p0 $0x0, s1;
	[sflag:s0] =	ssyncset.done @!p0 $0x0  }
0xd7: {  	[sflag:s0] =	ssyncadd.s32 @!p0 s1  }
0xd8: {  	[bflag:$0x3] =	sbarrier.arrive $0xFFFF  }
0xd9: {  	_ =	shalt  }

// kernel: sparse-core-data-format-call.cloned.1.call-start
scs
called_computation_lowered:
.L_overlay_start_0:
0x0: {  	s2 =	sld [smem:$0x3FD9]  }
0x1: {  	s3 =	sld [smem:$0x3FFE];
	_ =	sdelay $0x1  }
0x2: {  	s1 =	srdreg.scid  }
0x3: {  	s0 =	sand.u32 $0x1, s1  }
0x4: {  	s18 =	sshll.u32 s0, $0xA;
	s2 =	sadd.s32 s3, s2  }
0x5: {  	s2 =	sadd.s32 s2, s18  }
0x6: {  	[smem:$0x3FC6] =	sst s2  }
0x7: {  	_ = 	snop  }
0x8: {  	s2 =	sld [smem:$0x3FD0];
	(tm) =	ssettm $0x1  }
0x9: {  	s19 =	sld [smem:$0x3FFB];
	_ =	sdelay $0x3  }
0xa: {  	_ =	strace s19  }
0xb: {  	s3 =	sld [smem:$0x3FFC];
	_ =	sdelay $0x3  }
0xc: {  	_ =	strace s3  }
0xd: {  	s3 =	sld [smem:$0x3FFD];
	_ =	sdelay $0x3  }
0xe: {  	_ =	strace s3  }
0xf: {  	_ =	strace $0x8FFFFFFF  }
0x10: {  	s20 =	sld [smem:$0x3FDB];
	_ =	sdelay $0x1  }
0x11: {  	s4 =	simm.s32 $_scs_section_size  }
0x12: {  	s5 =	simm.s32 $_size__tile_overlayer_lowered;
	s6 =	simm.s32 $_tile_overlayer_lowered  }
0x13: {  	s23 =	simm.s32 $0x1BFF;
	s22 =	sshll.u32 s6, $0x1;
	s3 =	sadd.s32 s4, s20  }
0x14: {  	s7 =	simm.s32 $0x0;
	s21 =	sshll.u32 s5, $0x1;
	s5 =	sadd.s32 s22, s3  }
0x15: {  	[timem:s7], [sflag:s23] =	dma.local [hbm:s5], s21  }
0x16: {  	_ =	swait.ge [sflag:s23], s21  }
0x17: {  	s4 =	ssub.s32 $0x0, s21;
	[sflag:s23] =	ssyncset.done $0x0  }
0x18: {  	[sflag:s23] =	ssyncadd.s32 s4;
	_ =	sdelay $0x1  }
0x19: {  	s24 =	simm.s32 $0x1B8B  }
0x1a: {  	_ =	swait.ge [sflag:s24], $0x1  }
0x1b: {  	[sflag:s24] =	ssyncset.done $0x0  }
0x1c: {  	s26 =	simm.s32 $0x1B8E;
	s25 =	sld [smem:$0x3FFE];
	[sflag:s24] =	ssyncadd.s32 $0xFFFFFFFF  }
0x1d: {  	s27 =	simm.s32 $execute0_lowered;
	[smem:$0x3FD2] =	sst s26  }
0x1e: {  	s5 =	sshll.u32 s27, $0x1;
	_ =	strace $0x80000049;
	[dreg:$0x1] =	wrdreg $0xFFFFFFFF  }
0x1f: {  	s28 =	simm.s32 $_size_execute0_lowered;
	s3 =	sadd.s32 s3, s5;
	[dreg:$0x0] =	wrdreg $0x0  }
0x20: {  	s5 =	sshll.u32 s28, $0x1;
	[dreg:$0x2] =	wrdreg s3  }
0x21: {  	[dreg:$0x3] =	wrdreg s5  }
0x22: {  	[dreg:$0x4] =	wrdreg $0xC0  }
0x23: {  	_ =	task [dreg:s7], $0x5FFFF  }
0x24: {  	[dreg:$0x1] =	wrdreg $0xFFFFFFFF  }
0x25: {  	[dreg:$0x0] =	wrdreg $0x60  }
0x26: {  	[dreg:$0x2] =	wrdreg s25  }
0x27: {  	[dreg:$0x3] =	wrdreg s2  }
0x28: {  	[dreg:$0x4] =	wrdreg $0x9  }
0x29: {  	_ =	task.clear_ibuf [dreg:s7], $0x5FFFF;
	_ =	strace $0x90000049  }
0x2a: {  	s29 =	simm.s32 $0x9;
	_ =	strace $0x8000004B  }
0x2b: {  	_ =	swait.ge [sflag:s29], $0x1  }
0x2c: {  	[sflag:s29] =	ssyncadd.s32 $0xFFFFFFFF  }
0x2d: {  	_ =	strace $0x9000004B  }
0x2e: {  	_ =	sfence  }
0x2f: {  	s30 =	sld [smem:$0x0];
	_ =	sdelay $0x2  }
0x30: {  	s31 =	sshll.u32 s1, $0xD;
	s1 =	sshrl.u32 s1, $0x2  }
0x31: {  	s3 =	sand.u32 $0x4000, s31;
	s1 =	sadd.s32 s1, s30  }
0x32: {  	s0 =	sor.u32 s3, s0;
	s1 =	sshll.u32 s1, $0x11  }
0x33: {  	s0 =	sor.u32 s1, s0  }
0x34: {  	s0 =	sadd.s32 $0x8F2B, s0  }
0x35: {  	[sflag:s0] =	ssyncadd.remote.s32 $0x1  }
0x36: {  	_ =	sfence.sel $0xFFFF  }
0x37: {  	[dreg:$0x0] =	wrdreg $0xFFFFFFFF;
	(pc) =	sbr.abs _section_cstart, $3  }
0x38: {  	[dreg:$0x1] =	wrdreg $0xFFFFFFFF  }
0x39: {  	_ =	task.clear_ibuf [dreg:s7], $0x2FFFF;
	_ =	strace $0x9FFFFFFF  }
0x3a: {  	(tm) =	ssettm $0x7FFFFFFF  }
0x3b: {  	_ =	shalt  }
tec
execute0_lowered:
.L_overlay_start_1:
0x0: {  	(tag) =	ssettag $0x1  }
0x1: {  	s0 =	srdreg.scid  }
0x2: {  	s1 =	sshll.u32 s0, $0x4  }
0x3: {  	s6 =	rddreg [dreg:$0x0];
	s0 =	stileid.u32;
	s1 =	sand.u32 $0x10, s1  }
0x4: {  	s3 =	rddreg [dreg:$0x1];
	s1 =	sor.u32 s0, s1  }
0x5: {  	s5 =	simm.s32 $0x1;
	s31 =	simm.s32 $0x2;
	s2 =	sshll.u32 s1, $0x7  }
0x6: {  	s15 =	simm.s32 $0x0;
	s8 =	simm.s32 $0xC8000;
	s4 =	ssub.s32 $0x1000, s2  }
0x7: {  	s14 =	simm.s32 $0x0;
	s9 =	simm.s32 $0x0;
	s30 =	sand.u32 $0xF80, s4  }
0x8: {  	s10 =	simm.s32 $0x0;
	s11 =	simm.s32 $0x0;
	p0 =	sne.s32 s30, $0x0  }
.Ltmp0:
0x9: {  	s7 =	sshrl.u32 s4, $0xC;
	s5 =	simm.s32 @!p0 $0x0;
	(pc) =	sbr.rel .LBB1_1-.Ltmp0, $4  }
0xa: {  	s13 =	simm.s32 $0x0;
	s1 =	rddreg [dreg:$0x2];
	s5 =	sadd.s32 s5, s7  }
0xb: {  	_ =	strace $0x8000004A;
	s4 =	simm.s32 $0x1;
	s5 =	smul.u32 $0xC8, s5  }
0xc: {  	s6 =	sadd.s32 $0x1A0400, s6;
	s12 =	smov.u32 s2;
	[sflag:s4] =	ssyncpa.u1 $0x0  }
0xd: {  	[sflag:s31] =	ssyncpa.u1 $0x0;
	p0 =	por $0x0, $0x0;
	s7 =	sor.u32 $0x1, s5  }
.LBB1_4:
0xe: {  	s20 =	sshra.s32 s20, $0x2;
	s27 =	sshll.u32 s9, $0xC  }
0xf: {  	s21 =	sand.u32 $0x78, s10;
	s22 =	sshll.u32 s10, $0x3;
	s24 =	sshll.u32 s9, $0x7  }
0x10: {  	p1 =	sgt.s32 s9, $0xC7;
	s30 =	sshra.s32 s9, $0x1F;
	s25 =	sshra.s32 s10, $0x1F  }
0x11: {  	s19 =	sadd.s32 s20, s19;
	s20 =	sand.u32 $0xFFFF8000, s27;
	s23 =	sand.u32 $0xFFFFFC00, s22  }
0x12: {  	v5 =	vld [tilespmem:s17+$0xFFFFFFD0];
	[tilespmem:s18+$0x2040 ss:$0x81] =	vst.msk $0xffff, v4;
	s22 =	sand.u32 $0xC00, s22;
	s28 =	sand.u32 $0x380, s24;
	s31 =	sand.u32 s30, s9  }
0x13: {  	v58 =	vld [tilespmem:s17+$0xFFFFFFE0];
	[tilespmem:s18+$0x2850 ss:$0x81] =	vst.msk $0xffff, v3;
	s24 =	smov.u32 s10;
	s25 =	sand.u32 s25, s10;
	s20 =	sadd.s32 s23, s20  }
0x14: {  	v59 =	vld [tilespmem:s17+$0xFFFFFFF0];
	[tilespmem:s18+$0x3060 ss:$0x81] =	vst.msk $0xffff, v2;
	s21 =	sor.u32 s21, s22;
	s22 =	smov.u32 s9;
	s20 =	sshrl.u32 s20, $0xC  }
0x15: {  	v60 =	vld [tilespmem:s17+$0x0];
	[tilespmem:s18+$0x0 ss:$0x81] =	vst.msk $0xffff, v1;
	s22 =	simm.s32 @!p1 $0xC7;
	p1 =	sgt.s32 s10, $0xF80;
	s29 =	smulhi.u32 $0x147AE15, s20  }
0x16: {  	v61 =	vld [tilespmem:s17+$0x10];
	[tilespmem:s19+$0x3870 ss:$0x81] =	vst.msk $0xffff, v0;
	s21 =	sor.u32 s28, s21;
	s18 =	ssub.s32 s22, s31;
	s24 =	simm.s32 @!p1 $0xF80  }
0x17: {  	v62 =	vld [tilespmem:s17+$0x20];
	[tilespmem:s19+$0x810 ss:$0x81] =	vst.msk $0xffff, v5;
	s22 =	ssub.s32 s24, s25;
	s26 =	ssub.s32 $0xC8, s18;
	s23 =	smul.u32 $0xC8, s29  }
0x18: {  	v63 =	vld [tilespmem:s17+$0xFFFFFFC0];
	[tilespmem:s19+$0x1020 ss:$0x81] =	vst.msk $0xffff, v58;
	s27 =	sadd.s32 $0xFFFFFF39, s18;
	s18 =	smul.u32 $0x64, s26;
	s28 =	sadd.s32 $0xFFFFF080, s22  }
0x19: {  	[tilespmem:s19+$0x1830 ss:$0x81] =	vst.msk $0xffff, v59;
	p1 =	sgt.s32 s27, $0x0;
	s17 =	ssub.s32 $0x1000, s22;
	p2 =	sgt.s32 s28, $0x7F  }
0x1a: {  	s30 =	sand.u32 $0x7, s10;
	[tilespmem:s19+$0x2040 ss:$0x81] =	vst.msk $0xffff, v60;
	s18 =	simm.s32 @p1 $0x0;
	s17 =	simm.s32 @p2 $0x0  }
0x1b: {  	[tilespmem:s19+$0x2850 ss:$0x81] =	vst.msk $0xffff, v61;
	s29 =	sshrl.u32 s21, $0x3;
	s20 =	ssub.s32 s20, s23;
	s17 =	smul.u32 s17, s18  }
0x1c: {  	[tilespmem:s19+$0x3060 ss:$0x81] =	vst.msk $0xffff, v62;
	s21 =	sshll.u32 s30, $0x12;
	s20 =	sshll.u32 s20, $0x9;
	s18 =	sadd.s32 s3, s29  }
0x1d: {  	[tilespmem:s19+$0x0 ss:$0x81] =	vst.msk $0xffff, v63;
	s31 =	sor.u32 $0x80, s21;
	s18 =	sadd.s32 s20, s18;
	s17 =	sand.u32 $0x3FFFFFFC, s17  }
0x1e: {  	[hbm4b:s18+s31] =	stream.strided.scatter [tilespmem:s16], [sflag:$0x2], s17, s8, s31, $0x20;
	[tilespmem:$0x10100] =	vst v63  }
.LBB1_5:
0x1f: {  	p1 =	slt.u32 s13, $0x2  }
0x20: {  	s17 =	smov.u32 s15;
	p2 =	sgt.s32 @!p1 s15, $0xC7;
	s16 =	sshra.s32 @!p1 s15, $0x1F  }
0x21: {  	p3 =	sgt.s32 @!p1 s14, $0xF80;
	s18 =	sshra.s32 @!p1 s14, $0x1F;
	p2 =	por !p2, p1  }
0x22: {  	s15 =	sand.u32 @!p1 s16, s15;
	p3 =	por !p3, p1;
	s16 =	smov.u32 s14  }
0x23: {  	s14 =	sand.u32 @!p1 s18, s14;
	s17 =	simm.s32 @p2 $0xC7;
	s16 =	simm.s32 @p3 $0xF80  }
0x24: {  	s18 =	smov.u32 s12;
	s15 =	ssub.s32 @!p1 s17, s15;
	s14 =	ssub.s32 @!p1 s16, s14  }
0x25: {  	s16 =	sadd.s32 @!p1 $0xFFFFFF39, s15;
	s15 =	ssub.s32 @!p1 $0xC8, s15;
	s17 =	sadd.s32 @!p1 $0xFFFFF080, s14  }
0x26: {  	p2 =	sgt.s32 @!p1 s16, $0x0;
	s15 =	smul.u32 @!p1 $0x64, s15;
	p3 =	sgt.s32 @!p1 s17, $0x7F  }
0x27: {  	s14 =	ssub.s32 @!p1 $0x1000, s14;
	p2 =	por !p2, p1;
	p3 =	por !p3, p1  }
0x28: {  	s16 =	sadd.s32 $0x1, s11;
	s15 =	simm.s32 @!p2 $0x0;
	s14 =	simm.s32 @!p3 $0x0  }
0x29: {  	p2 =	sgt.s32 s16, $0xC7;
	s14 =	smul.u32 @!p1 s14, s15;
	s15 =	sadd.s32 $0x1000, s12  }
0x2a: {  	s18 =	smov.u32 @p2 s15  }
0x2b: {  	s16 =	simm.s32 @p2 $0x0;
	p2 =	sgt.s32 s18, $0xFFF  }
0x2c: {  	s18 =	smov.u32 @p2 s2;
	p2 =	sne.s32 s13, s7  }
.Ltmp1:
0x2d: {  	p0 =	por !p0, !p0;
	s17 =	simm.s32 @!p1 $0x2;
	(pc) =	sbr.rel @!p2 .LBB1_6-.Ltmp1, $4  }
0x2e: {  	s15 =	smov.u32 s9;
	s9 =	smov.u32 s11;
	s14 =	sand.u32 @!p1 $0x3FFFFFFC, s14  }
0x2f: {  	s11 =	smov.u32 s16;
	_ =	swait.ge @!p1 [sflag:s17], s14;
	s19 =	ssub.s32 @!p1 $0x0, s14  }
0x30: {  	s14 =	smov.u32 s10;
	s13 =	sadd.s32 $0x1, s13;
	[sflag:s17] =	ssyncset.done @!p1 $0x0  }
0x31: {  	s10 =	smov.u32 s12;
	s12 =	smov.u32 s18;
	[sflag:s17] =	ssyncadd.s32 @!p1 s19  }
.LBB1_1:
0x32: {  	p1 =	sge.u32 s13, s5  }
0x33: {  	s16 =	sand.u32 @!p1 $0x1FFFFFF, s11  }
0x34: {  	s17 =	smulhi.u32 @!p1 $0x147AE15, s16;
	_ =	sdelay $0x1  }
0x35: {  	s17 =	smul.u32 @!p1 $0xC8, s17  }
0x36: {  	s18 =	sxor.u32 @!p1 $0xFFFFFFFF, s13;
	s19 =	smul.u32 @!p1 $0xC80, s12  }
0x37: {  	s31 =	sadd.s32 $0xFFFFFFFF, s13;
	s18 =	sshll.u32 @!p1 s18, $0xE;
	s16 =	ssub.s32 @!p1 s16, s17  }
0x38: {  	s17 =	sand.u32 @!p1 $0x4000, s18;
	s18 =	sadd.s32 @!p1 s6, s19;
	s16 =	sshll.u32 @!p1 s16, $0x4  }
0x39: {  	s19 =	simm.s32 @!p1 $0x6400;
	s16 =	sadd.s32 @!p1 s16, s18;
	s18 =	simm.s32 @!p1 $0x80  }
0x3a: {  	[tilespmem:s17], [sflag:$0x1] =	stream.strided.gather @!p1 [hbm4b:s16+s18], $0x4000, s19, s18, $0x38;
	[tilespmem:$0x10100] =	vst v63  }
0x3b: {  	p1 =	sge.u32 s31, s5  }
.Ltmp2:
0x3c: {  	_ = 	snop;
	(pc) =	sbr.rel @p1 .LBB1_5-.Ltmp2, $1  }
0x3d: {  	_ =	sdelay $0x3  }
0x3e: {  	s16 =	simm.s32 $0x1  }
0x3f: {  	_ =	swait.ge [sflag:s4], $0x4000;
	s16 =	simm.s32 @!p0 $0x0  }
0x40: {  	[sflag:s4] =	ssyncset.done $0x0;
	s17 =	sshll.u32 s16, $0xE  }
0x41: {  	[sflag:s4] =	ssyncadd.s32 $0xFFFFC000;
	s17 =	sor.u32 $0x40, s17  }
0x42: {  	s16 =	smul.u32 $0x10200, s16;
	v0 =	vld [tilespmem:s17+$0x30]  }
0x43: {  	v1 =	vld [tilespmem:s17+$0xFFFFFFD0]  }
0x44: {  	s16 =	sshrl.u32 s16, $0x2;
	v5 =	vld [tilespmem:s17+$0xFFFFFFE0]  }
0x45: {  	v6 =	vld [tilespmem:s17+$0xFFFFFFF0];
	s19 =	sor.u32 $0x8000, s16  }
0x46: {  	s31 =	sand.u32 $0x1, s13;
	v4 =	vld [tilespmem:s17+$0x0];
	s18 =	sadd.s32 $0x0, s19  }
0x47: {  	v3 =	vld [tilespmem:s17+$0x10];
	s16 =	smul.u32 $0x10200, s31;
	[tilespmem:s18+$0x3870 ss:$0x81] =	vst.msk $0xffff, v0  }
0x48: {  	v2 =	vld [tilespmem:s17+$0x20];
	[tilespmem:s18+$0x810 ss:$0x81] =	vst.msk $0xffff, v1  }
0x49: {  	s16 =	sshrl.u32 s16, $0x2;
	v1 =	vld [tilespmem:s17+$0xFFFFFFC0];
	[tilespmem:s18+$0x1020 ss:$0x81] =	vst.msk $0xffff, v5;
	s17 =	sadd.s32 $0x80, s17  }
0x4a: {  	s20 =	simm.s32 $0x4;
	s21 =	simm.s32 $0x8;
	s16 =	sor.u32 $0x8000, s16;
	[tilespmem:s18+$0x1830 ss:$0x81] =	vst.msk $0xffff, v6;
	v0 =	vld [tilespmem:s17+$0x30]  }
.LBB1_3:
0x4b: {  	p1 =	sne.s32 s21, $0x1FC;
	v5 =	vld [tilespmem:s17+$0xFFFFFFD0];
	[tilespmem:s18+$0x2040 ss:$0x81] =	vst.msk $0xffff, v4  }
0x4c: {  	v6 =	vld [tilespmem:s17+$0xFFFFFFE0];
	[tilespmem:s18+$0x2850 ss:$0x81] =	vst.msk $0xffff, v3  }
0x4d: {  	s22 =	sshra.s32 s20, $0x2;
	s20 =	smov.u32 s21;
	v7 =	vld [tilespmem:s17+$0xFFFFFFF0];
	[tilespmem:s18+$0x3060 ss:$0x81] =	vst.msk $0xffff, v2  }
.Ltmp3:
0x4e: {  	v4 =	vld [tilespmem:s17+$0x0];
	[tilespmem:s18+$0x0 ss:$0x81] =	vst.msk $0xffff, v1;
	s18 =	sadd.s32 s22, s19;
	(pc) =	sbr.rel @p1 .LBB1_3-.Ltmp3, $4  }
0x4f: {  	v3 =	vld [tilespmem:s17+$0x10];
	[tilespmem:s18+$0x3870 ss:$0x81] =	vst.msk $0xffff, v0  }
0x50: {  	[tilespmem:s18+$0x810 ss:$0x81] =	vst.msk $0xffff, v5;
	v2 =	vld [tilespmem:s17+$0x20]  }
0x51: {  	v1 =	vld [tilespmem:s17+$0xFFFFFFC0];
	[tilespmem:s18+$0x1020 ss:$0x81] =	vst.msk $0xffff, v6;
	s17 =	sadd.s32 $0x80, s17  }
0x52: {  	s21 =	sadd.s32 $0x4, s21;
	v0 =	vld [tilespmem:s17+$0x30];
	[tilespmem:s18+$0x1830 ss:$0x81] =	vst.msk $0xffff, v7  }
.Ltmp4:
0x53: {  	_ = 	snop;
	(pc) =	sbr.rel .LBB1_4-.Ltmp4, $1  }
0x54: {  	_ =	sdelay $0x3  }
.LBB1_6:
0x55: {  	_ =	sfence.sel $0x180000  }
0x56: {  	s2 =	simm.s32 $0x1;
	[bflag:$0x0] =	sbarrier.arrive $0xFFFF  }
0x57: {  	s31 =	simm.s32 $0x2;
	[sflag:s2] =	ssyncpa.u1 $0x1  }
0x58: {  	[sflag:s31] =	ssyncpa.u1 $0x1  }
0x59: {  	p0 =	sne.s32 s0, $0x0;
	_ =	strace $0x9000004A  }
0x5a: {  	s0 =	sadd.s32 @!p0 $0x100000, s1;
	[bflag:$0x2] =	sbarrier.arrive $0xFFFF  }
0x5b: {  	[sflag:s0] =	ssyncadd.tile.s32 @!p0 $0x1;
	_ =	shalt  }
.Lfunc_end1:
_tile_overlayer_lowered:
.L_overlay_start_2:
0x5c: {  	(tag) =	ssettag $0x2  }
0x5d: {  	s0 =	rddreg [dreg:$0x0];
	s2 =	stileid.u32  }
0x5e: {  	s1 =	rddreg [dreg:$0x1];
	p0 =	sne.s32 s2, $0x0  }
0x5f: {  	s3 =	rddreg [dreg:$0x2];
	[bflag:$0x3] =	sbarrier.arrive $0xFFFF;
	s2 =	simm.s32 @!p0 $0x1C01  }
0x60: {  	[timem:s3], [sflag:s2] =	dma.local @!p0 [hbm:s0], s1  }
0x61: {  	s0 =	simm.s32 @!p0 $0x1  }
0x62: {  	_ =	swait.ge @!p0 [sflag:s0], s1  }
0x63: {  	s1 =	ssub.s32 @!p0 $0x0, s1;
	[sflag:s0] =	ssyncset.done @!p0 $0x0  }
0x64: {  	[sflag:s0] =	ssyncadd.s32 @!p0 s1  }
0x65: {  	[bflag:$0x3] =	sbarrier.arrive $0xFFFF  }
0x66: {  	_ =	shalt  }

</sc_bundles>
